<compile_context>
chip_gen: v7x
topology: tpu7x:2x2x1
jax: 0.10.2.dev20260603
libtpu: 0.0.44.dev20260713+nightly
codegen_flags: <defaults>
</compile_context>

<pallas_src>
import functools

import jax
import jax.numpy as jnp
from jax import lax
from jax.experimental import pallas as pl
from jax.experimental.pallas import tpu as pltpu
from jax.experimental.pallas import tpu_sc as plsc

NTOK = 32768
HIDDEN = 4096
NUM_EXPERTS = 64
TOP_K = 8
BLK = 1024

_NC = 2
_NS = 16
_NW = _NC * _NS
_TPW = NTOK // _NW


def _probs_block(x_ref, w_ref, probs_ref):
    x = x_ref[...]
    w = w_ref[...]
    logits = jax.lax.dot_general(
        x, w, (((1,), (1,)), ((), ())),
        preferred_element_type=jnp.float32,
        precision=jax.lax.Precision.DEFAULT,
    )
    lt = jnp.transpose(logits)
    m = jnp.max(lt, axis=0, keepdims=True)
    e = jnp.exp(lt - m)
    p = e / jnp.sum(e, axis=0, keepdims=True)
    probs_ref[...] = jnp.transpose(p)


def _tc_probs(x, W):
    return pl.pallas_call(
        _probs_block,
        grid=(NTOK // BLK,),
        in_specs=[
            pl.BlockSpec((BLK, HIDDEN), lambda i: (i, 0)),
            pl.BlockSpec((NUM_EXPERTS, HIDDEN), lambda i: (0, 0)),
        ],
        out_specs=pl.BlockSpec((BLK, NUM_EXPERTS), lambda i: (i, 0)),
        out_shape=jax.ShapeDtypeStruct((NTOK, NUM_EXPERTS), jnp.float32),
    )(x, W)


@functools.partial(
    pl.kernel,
    out_type=jax.ShapeDtypeStruct((NTOK, 16), jnp.int32),
    mesh=plsc.VectorSubcoreMesh(core_axis_name="c", subcore_axis_name="s"),
    scratch_types=[
        pltpu.VMEM((_TPW, NUM_EXPERTS), jnp.float32),
        pltpu.VMEM((_TPW, 16), jnp.int32),
    ],
    compiler_params=pltpu.CompilerParams(
        needs_layout_passes=False, use_tc_tiling_on_sc=False),
)
def _sc_topk(probs_hbm, out_hbm, probs_v, idx_v):
    wid = lax.axis_index("s") * _NC + lax.axis_index("c")
    base = wid * _TPW
    pltpu.sync_copy(probs_hbm.at[pl.ds(base, _TPW)], probs_v)

    lane = lax.iota(jnp.int32, 16)

    def body(t, _):
        v = [probs_v[t, pl.ds(16 * j, 16)] for j in range(4)]
        irev = [(63 - (lane + 16 * j)).astype(jnp.float32) for j in range(4)]
        acc = jnp.zeros((16,), jnp.int32)
        for k in range(TOP_K):
            mx = lax.reduce_max(
                jnp.maximum(jnp.maximum(v[0], v[1]),
                            jnp.maximum(v[2], v[3])), axes=(0,))
            sel = lax.reduce_max(
                jnp.maximum(
                    jnp.maximum(jnp.where(v[0] == mx, irev[0], -1.0),
                                jnp.where(v[1] == mx, irev[1], -1.0)),
                    jnp.maximum(jnp.where(v[2] == mx, irev[2], -1.0),
                                jnp.where(v[3] == mx, irev[3], -1.0))),
                axes=(0,))
            amax = 63 - sel.astype(jnp.int32)
            acc = jnp.where(lane == k, amax, acc)
            v = [jnp.where(irev[j] == sel, -1.0, v[j]) for j in range(4)]
        idx_v[t, :] = acc
        return _

    lax.fori_loop(0, _TPW, body, 0)
    pltpu.sync_copy(idx_v, out_hbm.at[pl.ds(base, _TPW)])


def kernel(x, W):
    probs = _tc_probs(x, W)
    idx16 = _sc_topk(probs)
    return (probs, idx16[:, :TOP_K])

# --- scband reference (transcript-rebuilt; emitter-appended) ---
"""Pipeline reference for scband-mo-erouter-58282706206784 (READ-ONLY COPY).

The authoritative reference and input builder live on the scoring server;
editing this copy changes nothing except your own understanding.
"""

import jax, jax.numpy as jnp
import numpy as np

NTOK = 32768
HIDDEN = 4096
NUM_EXPERTS = 64
TOP_K = 8
AUX_COEFF = 0.01
Z_COEFF = 0.0001


def setup_inputs(seed: int = 0) -> dict:
    key = jax.random.key(seed)
    k1, k2 = jax.random.split(key)
    x = jax.random.normal(k1, (NTOK, HIDDEN), dtype=jnp.float32)
    # classifier weight: nn.Linear(hidden, num_experts, bias=False) -> W[num_experts, hidden]
    W = jax.random.normal(k2, (NUM_EXPERTS, HIDDEN), dtype=jnp.float32) * 0.02
    return {"x": x, "W": W}


def reference(x, W):
    # router_logits = classifier(x)
    router_logits = x @ W.T
    # apply_z_loss: MoEAuxLossAutoScaler.forward is an identity pass-through on logits;
    # z_loss only influences the backward pass. Compute it for faithfulness.
    z_loss = jnp.mean(jnp.square(jax.scipy.special.logsumexp(router_logits, axis=-1))) * Z_COEFF
    router_probs = jax.nn.softmax(router_logits, axis=-1)
    top_k_probs, top_k_indices = jax.lax.top_k(router_probs, TOP_K)
    # tokens_per_expert via scatter-add (computed in the torch forward, unused in output)
    tokens_per_expert = jnp.zeros((NUM_EXPERTS,), dtype=jnp.float32).at[top_k_indices.reshape(-1)].add(1.0)
    # apply_load_balancing_loss: note the torch code passes router_probs (full [N, E]) and
    # assigns the (pass-through) result to top_k_probs, so the first returned tensor is the
    # FULL router_probs, not the top-k slice. Reproduce that behavior faithfully.
    num_tokens = router_probs.shape[0]
    expert_load = router_probs.sum(0) / num_tokens
    target_load = jnp.ones_like(expert_load) / NUM_EXPERTS
    aux_loss = jnp.mean((expert_load - target_load) ** 2) * AUX_COEFF
    # MoEAuxLossAutoScaler.forward -> identity on router_probs
    out_probs = router_probs
    return (out_probs, top_k_indices)

if __name__ == "__main__":
    import jax
    _d = setup_inputs()
    print(jax.jit(kernel)(*tuple(_d.values())))

</pallas_src>

<mosaic_0001>
#map = affine_map<(d0, d1) -> (0, 0)>
module attributes {stable_mosaic.version = 14 : i64} {
  func.func @_sc_topk(%arg0: i32, %arg1: i32, %arg2: memref<32768x64xf32, #tpu.memory_space<hbm>>, %arg3: memref<32768x16xi32, #tpu.memory_space<hbm>>, %arg4: memref<1024x64xf32, #tpu.memory_space<vmem>>, %arg5: memref<1024x16xi32, #tpu.memory_space<vmem>>) attributes {dimension_semantics = [#tpu.dimension_semantics<core_parallel>, #tpu.dimension_semantics<subcore_parallel>], iteration_bounds = array<i64: 2, 16>, scalar_prefetch = 0 : i64, scratch_operands = 2 : i64, tpu.core_type = #tpu.core_type<sc_vector_subcore>, window_params = [{transform_indices = #map}, {transform_indices = #map}]} {
    %mul3A = arith.constant 2 : i32
    %mul3A_0 = arith.muli %arg1, %mul3A : i32
    %add3A = arith.addi %mul3A_0, %arg0 : i32
    %mul3A_1 = arith.constant 1024 : i32
    %mul3A_2 = arith.muli %add3A, %mul3A_1 : i32
    "tpu.region"() ({
      %run_scoped3A = tpu.sem_alloc : memref<!tpu.dma_semaphore, #tpu.memory_space<semaphore_mem>>
      %dma_start3A = arith.constant 0 : i32
      %dma_start3A_8 = tpu.memref_slice %arg2[%mul3A_2, %dma_start3A] : memref<32768x64xf32, #tpu.memory_space<hbm>> -> memref<1024x64xf32, #tpu.memory_space<hbm>>
      %dma_start3A_9 = arith.constant 0 : i32
      %dma_start3A_10 = tpu.memref_slice %arg2[%mul3A_2, %dma_start3A_9] : memref<32768x64xf32, #tpu.memory_space<hbm>> -> memref<1024x64xf32, #tpu.memory_space<hbm>>
      tpu.enqueue_dma source(%dma_start3A_10 : memref<1024x64xf32, #tpu.memory_space<hbm>>) target(%arg4 : memref<1024x64xf32, #tpu.memory_space<vmem>>) target_semaphore(%run_scoped3A : memref<!tpu.dma_semaphore, #tpu.memory_space<semaphore_mem>>)
      %dma_wait3A = arith.constant 0 : i32
      %dma_wait3A_11 = tpu.memref_slice %arg2[%mul3A_2, %dma_wait3A] : memref<32768x64xf32, #tpu.memory_space<hbm>> -> memref<1024x64xf32, #tpu.memory_space<hbm>>
      %dma_wait3A_12 = arith.constant 0 : i32
      %dma_wait3A_13 = tpu.memref_slice %arg2[%mul3A_2, %dma_wait3A_12] : memref<32768x64xf32, #tpu.memory_space<hbm>> -> memref<1024x64xf32, #tpu.memory_space<hbm>>
      tpu.wait_dma2 semaphore(%run_scoped3A : memref<!tpu.dma_semaphore, #tpu.memory_space<semaphore_mem>>) src(%dma_wait3A_13 : memref<1024x64xf32, #tpu.memory_space<hbm>>) dst(%arg4 : memref<1024x64xf32, #tpu.memory_space<vmem>>)
      tpu.yield
    }) : () -> ()
    %iota3A = tpu.iota {dimensions = array<i32: 0>} : vector<16xi32>
    %scan3A = arith.constant 0 : i32
    %scan3A_3 = arith.constant 0 : i32
    %scan3A_4 = arith.constant 1024 : i32
    %scan3A_5 = arith.addi %scan3A_3, %scan3A_4 : i32
    %scan3A_6 = arith.constant 1 : i32
    scf.for %scan3A_8 = %scan3A_3 to %scan3A_5 step %scan3A_6  : i32 {
      %get3A = arith.index_cast %scan3A_8 : i32 to index
      %get3A_9 = arith.constant 0 : index
      %get3A_10 = tpu.vector_load %arg4[%get3A, %get3A_9] {strides = array<i32>} : memref<1024x64xf32, #tpu.memory_space<vmem>>, vector<16xf32>,
      %get3A_11 = arith.index_cast %scan3A_8 : i32 to index
      %get3A_12 = arith.constant 16 : index
      %get3A_13 = tpu.vector_load %arg4[%get3A_11, %get3A_12] {strides = array<i32>} : memref<1024x64xf32, #tpu.memory_space<vmem>>, vector<16xf32>,
      %get3A_14 = arith.index_cast %scan3A_8 : i32 to index
      %get3A_15 = arith.constant 32 : index
      %get3A_16 = tpu.vector_load %arg4[%get3A_14, %get3A_15] {strides = array<i32>} : memref<1024x64xf32, #tpu.memory_space<vmem>>, vector<16xf32>,
      %get3A_17 = arith.index_cast %scan3A_8 : i32 to index
      %get3A_18 = arith.constant 48 : index
      %get3A_19 = tpu.vector_load %arg4[%get3A_17, %get3A_18] {strides = array<i32>} : memref<1024x64xf32, #tpu.memory_space<vmem>>, vector<16xf32>,
      %add3A_20 = arith.constant 0 : i32
      %add3A_21 = vector.broadcast %add3A_20 : i32 to vector<16xi32>
      %add3A_22 = arith.addi %iota3A, %add3A_21 : vector<16xi32>
      %sub3A = arith.constant 63 : i32
      %sub3A_23 = vector.broadcast %sub3A : i32 to vector<16xi32>
      %sub3A_24 = arith.subi %sub3A_23, %add3A_22 : vector<16xi32>
      %convert_element_type3A = arith.sitofp %sub3A_24 : vector<16xi32> to vector<16xf32>
      %add3A_25 = arith.constant 16 : i32
      %add3A_26 = vector.broadcast %add3A_25 : i32 to vector<16xi32>
      %add3A_27 = arith.addi %iota3A, %add3A_26 : vector<16xi32>
      %sub3A_28 = arith.constant 63 : i32
      %sub3A_29 = vector.broadcast %sub3A_28 : i32 to vector<16xi32>
      %sub3A_30 = arith.subi %sub3A_29, %add3A_27 : vector<16xi32>
      %convert_element_type3A_31 = arith.sitofp %sub3A_30 : vector<16xi32> to vector<16xf32>
      %add3A_32 = arith.constant 32 : i32
      %add3A_33 = vector.broadcast %add3A_32 : i32 to vector<16xi32>
      %add3A_34 = arith.addi %iota3A, %add3A_33 : vector<16xi32>
      %sub3A_35 = arith.constant 63 : i32
      %sub3A_36 = vector.broadcast %sub3A_35 : i32 to vector<16xi32>
      %sub3A_37 = arith.subi %sub3A_36, %add3A_34 : vector<16xi32>
      %convert_element_type3A_38 = arith.sitofp %sub3A_37 : vector<16xi32> to vector<16xf32>
      %add3A_39 = arith.constant 48 : i32
      %add3A_40 = vector.broadcast %add3A_39 : i32 to vector<16xi32>
      %add3A_41 = arith.addi %iota3A, %add3A_40 : vector<16xi32>
      %sub3A_42 = arith.constant 63 : i32
      %sub3A_43 = vector.broadcast %sub3A_42 : i32 to vector<16xi32>
      %sub3A_44 = arith.subi %sub3A_43, %add3A_41 : vector<16xi32>
      %convert_element_type3A_45 = arith.sitofp %sub3A_44 : vector<16xi32> to vector<16xf32>
      %broadcast_in_dim3A = arith.constant 0 : i32
      %broadcast_in_dim3A_46 = vector.broadcast %broadcast_in_dim3A : i32 to vector<16xi32>
      %max3A = arith.maximumf %get3A_10, %get3A_13 : vector<16xf32>
      %max3A_47 = arith.maximumf %get3A_16, %get3A_19 : vector<16xf32>
      %max3A_48 = arith.maximumf %max3A, %max3A_47 : vector<16xf32>
      %reduce_max3A = arith.constant true
      %reduce_max3A_49 = vector.broadcast %reduce_max3A : i1 to vector<16xi1>
      %reduce_max3A_50 = tpu.scan <max>, %max3A_48 masked %reduce_max3A_49 : vector<16xf32>, vector<16xi1> -> vector<16xf32>
      %reduce_max3A_51 = vector.extract %reduce_max3A_50[15] : f32 from vector<16xf32>
      %eq3A = vector.broadcast %reduce_max3A_51 : f32 to vector<16xf32>
      %eq3A_52 = arith.cmpf oeq, %get3A_10, %eq3A : vector<16xf32>
      %jit3A = arith.constant -1.000000e+00 : f32
      %broadcast_in_dim3A_53 = vector.broadcast %jit3A : f32 to vector<16xf32>
      %select_n3A = arith.select %eq3A_52, %convert_element_type3A, %broadcast_in_dim3A_53 : vector<16xi1>, vector<16xf32>
      %eq3A_54 = vector.broadcast %reduce_max3A_51 : f32 to vector<16xf32>
      %eq3A_55 = arith.cmpf oeq, %get3A_13, %eq3A_54 : vector<16xf32>
      %jit3A_56 = arith.constant -1.000000e+00 : f32
      %broadcast_in_dim3A_57 = vector.broadcast %jit3A_56 : f32 to vector<16xf32>
      %select_n3A_58 = arith.select %eq3A_55, %convert_element_type3A_31, %broadcast_in_dim3A_57 : vector<16xi1>, vector<16xf32>
      %max3A_59 = arith.maximumf %select_n3A, %select_n3A_58 : vector<16xf32>
      %eq3A_60 = vector.broadcast %reduce_max3A_51 : f32 to vector<16xf32>
      %eq3A_61 = arith.cmpf oeq, %get3A_16, %eq3A_60 : vector<16xf32>
      %jit3A_62 = arith.constant -1.000000e+00 : f32
      %broadcast_in_dim3A_63 = vector.broadcast %jit3A_62 : f32 to vector<16xf32>
      %select_n3A_64 = arith.select %eq3A_61, %convert_element_type3A_38, %broadcast_in_dim3A_63 : vector<16xi1>, vector<16xf32>
      %eq3A_65 = vector.broadcast %reduce_max3A_51 : f32 to vector<16xf32>
      %eq3A_66 = arith.cmpf oeq, %get3A_19, %eq3A_65 : vector<16xf32>
      %jit3A_67 = arith.constant -1.000000e+00 : f32
      %broadcast_in_dim3A_68 = vector.broadcast %jit3A_67 : f32 to vector<16xf32>
      %select_n3A_69 = arith.select %eq3A_66, %convert_element_type3A_45, %broadcast_in_dim3A_68 : vector<16xi1>, vector<16xf32>
      %max3A_70 = arith.maximumf %select_n3A_64, %select_n3A_69 : vector<16xf32>
      %max3A_71 = arith.maximumf %max3A_59, %max3A_70 : vector<16xf32>
      %reduce_max3A_72 = arith.constant true
      %reduce_max3A_73 = vector.broadcast %reduce_max3A_72 : i1 to vector<16xi1>
      %reduce_max3A_74 = tpu.scan <max>, %max3A_71 masked %reduce_max3A_73 : vector<16xf32>, vector<16xi1> -> vector<16xf32>
      %reduce_max3A_75 = vector.extract %reduce_max3A_74[15] : f32 from vector<16xf32>
      %convert_element_type3A_76 = arith.fptosi %reduce_max3A_75 : f32 to i32
      %sub3A_77 = arith.constant 63 : i32
      %sub3A_78 = arith.subi %sub3A_77, %convert_element_type3A_76 : i32
      %eq3A_79 = arith.constant 0 : i32
      %eq3A_80 = vector.broadcast %eq3A_79 : i32 to vector<16xi32>
      %eq3A_81 = arith.cmpi eq, %iota3A, %eq3A_80 : vector<16xi32>
      %broadcast_in_dim3A_82 = vector.broadcast %sub3A_78 : i32 to vector<16xi32>
      %select_n3A_83 = arith.select %eq3A_81, %broadcast_in_dim3A_82, %broadcast_in_dim3A_46 : vector<16xi1>, vector<16xi32>
      %eq3A_84 = vector.broadcast %reduce_max3A_75 : f32 to vector<16xf32>
      %eq3A_85 = arith.cmpf oeq, %convert_element_type3A, %eq3A_84 : vector<16xf32>
      %jit3A_86 = arith.constant -1.000000e+00 : f32
      %broadcast_in_dim3A_87 = vector.broadcast %jit3A_86 : f32 to vector<16xf32>
      %select_n3A_88 = arith.select %eq3A_85, %broadcast_in_dim3A_87, %get3A_10 : vector<16xi1>, vector<16xf32>
      %eq3A_89 = vector.broadcast %reduce_max3A_75 : f32 to vector<16xf32>
      %eq3A_90 = arith.cmpf oeq, %convert_element_type3A_31, %eq3A_89 : vector<16xf32>
      %jit3A_91 = arith.constant -1.000000e+00 : f32
      %broadcast_in_dim3A_92 = vector.broadcast %jit3A_91 : f32 to vector<16xf32>
      %select_n3A_93 = arith.select %eq3A_90, %broadcast_in_dim3A_92, %get3A_13 : vector<16xi1>, vector<16xf32>
      %eq3A_94 = vector.broadcast %reduce_max3A_75 : f32 to vector<16xf32>
      %eq3A_95 = arith.cmpf oeq, %convert_element_type3A_38, %eq3A_94 : vector<16xf32>
      %jit3A_96 = arith.constant -1.000000e+00 : f32
      %broadcast_in_dim3A_97 = vector.broadcast %jit3A_96 : f32 to vector<16xf32>
      %select_n3A_98 = arith.select %eq3A_95, %broadcast_in_dim3A_97, %get3A_16 : vector<16xi1>, vector<16xf32>
      %eq3A_99 = vector.broadcast %reduce_max3A_75 : f32 to vector<16xf32>
      %eq3A_100 = arith.cmpf oeq, %convert_element_type3A_45, %eq3A_99 : vector<16xf32>
      %jit3A_101 = arith.constant -1.000000e+00 : f32
      %broadcast_in_dim3A_102 = vector.broadcast %jit3A_101 : f32 to vector<16xf32>
      %select_n3A_103 = arith.select %eq3A_100, %broadcast_in_dim3A_102, %get3A_19 : vector<16xi1>, vector<16xf32>
      %max3A_104 = arith.maximumf %select_n3A_88, %select_n3A_93 : vector<16xf32>
      %max3A_105 = arith.maximumf %select_n3A_98, %select_n3A_103 : vector<16xf32>
      %max3A_106 = arith.maximumf %max3A_104, %max3A_105 : vector<16xf32>
      %reduce_max3A_107 = arith.constant true
      %reduce_max3A_108 = vector.broadcast %reduce_max3A_107 : i1 to vector<16xi1>
      %reduce_max3A_109 = tpu.scan <max>, %max3A_106 masked %reduce_max3A_108 : vector<16xf32>, vector<16xi1> -> vector<16xf32>
      %reduce_max3A_110 = vector.extract %reduce_max3A_109[15] : f32 from vector<16xf32>
      %eq3A_111 = vector.broadcast %reduce_max3A_110 : f32 to vector<16xf32>
      %eq3A_112 = arith.cmpf oeq, %select_n3A_88, %eq3A_111 : vector<16xf32>
      %jit3A_113 = arith.constant -1.000000e+00 : f32
      %broadcast_in_dim3A_114 = vector.broadcast %jit3A_113 : f32 to vector<16xf32>
      %select_n3A_115 = arith.select %eq3A_112, %convert_element_type3A, %broadcast_in_dim3A_114 : vector<16xi1>, vector<16xf32>
      %eq3A_116 = vector.broadcast %reduce_max3A_110 : f32 to vector<16xf32>
      %eq3A_117 = arith.cmpf oeq, %select_n3A_93, %eq3A_116 : vector<16xf32>
      %jit3A_118 = arith.constant -1.000000e+00 : f32
      %broadcast_in_dim3A_119 = vector.broadcast %jit3A_118 : f32 to vector<16xf32>
      %select_n3A_120 = arith.select %eq3A_117, %convert_element_type3A_31, %broadcast_in_dim3A_119 : vector<16xi1>, vector<16xf32>
      %max3A_121 = arith.maximumf %select_n3A_115, %select_n3A_120 : vector<16xf32>
      %eq3A_122 = vector.broadcast %reduce_max3A_110 : f32 to vector<16xf32>
      %eq3A_123 = arith.cmpf oeq, %select_n3A_98, %eq3A_122 : vector<16xf32>
      %jit3A_124 = arith.constant -1.000000e+00 : f32
      %broadcast_in_dim3A_125 = vector.broadcast %jit3A_124 : f32 to vector<16xf32>
      %select_n3A_126 = arith.select %eq3A_123, %convert_element_type3A_38, %broadcast_in_dim3A_125 : vector<16xi1>, vector<16xf32>
      %eq3A_127 = vector.broadcast %reduce_max3A_110 : f32 to vector<16xf32>
      %eq3A_128 = arith.cmpf oeq, %select_n3A_103, %eq3A_127 : vector<16xf32>
      %jit3A_129 = arith.constant -1.000000e+00 : f32
      %broadcast_in_dim3A_130 = vector.broadcast %jit3A_129 : f32 to vector<16xf32>
      %select_n3A_131 = arith.select %eq3A_128, %convert_element_type3A_45, %broadcast_in_dim3A_130 : vector<16xi1>, vector<16xf32>
      %max3A_132 = arith.maximumf %select_n3A_126, %select_n3A_131 : vector<16xf32>
      %max3A_133 = arith.maximumf %max3A_121, %max3A_132 : vector<16xf32>
      %reduce_max3A_134 = arith.constant true
      %reduce_max3A_135 = vector.broadcast %reduce_max3A_134 : i1 to vector<16xi1>
      %reduce_max3A_136 = tpu.scan <max>, %max3A_133 masked %reduce_max3A_135 : vector<16xf32>, vector<16xi1> -> vector<16xf32>
      %reduce_max3A_137 = vector.extract %reduce_max3A_136[15] : f32 from vector<16xf32>
      %convert_element_type3A_138 = arith.fptosi %reduce_max3A_137 : f32 to i32
      %sub3A_139 = arith.constant 63 : i32
      %sub3A_140 = arith.subi %sub3A_139, %convert_element_type3A_138 : i32
      %eq3A_141 = arith.constant 1 : i32
      %eq3A_142 = vector.broadcast %eq3A_141 : i32 to vector<16xi32>
      %eq3A_143 = arith.cmpi eq, %iota3A, %eq3A_142 : vector<16xi32>
      %broadcast_in_dim3A_144 = vector.broadcast %sub3A_140 : i32 to vector<16xi32>
      %select_n3A_145 = arith.select %eq3A_143, %broadcast_in_dim3A_144, %select_n3A_83 : vector<16xi1>, vector<16xi32>
      %eq3A_146 = vector.broadcast %reduce_max3A_137 : f32 to vector<16xf32>
      %eq3A_147 = arith.cmpf oeq, %convert_element_type3A, %eq3A_146 : vector<16xf32>
      %jit3A_148 = arith.constant -1.000000e+00 : f32
      %broadcast_in_dim3A_149 = vector.broadcast %jit3A_148 : f32 to vector<16xf32>
      %select_n3A_150 = arith.select %eq3A_147, %broadcast_in_dim3A_149, %select_n3A_88 : vector<16xi1>, vector<16xf32>
      %eq3A_151 = vector.broadcast %reduce_max3A_137 : f32 to vector<16xf32>
      %eq3A_152 = arith.cmpf oeq, %convert_element_type3A_31, %eq3A_151 : vector<16xf32>
      %jit3A_153 = arith.constant -1.000000e+00 : f32
      %broadcast_in_dim3A_154 = vector.broadcast %jit3A_153 : f32 to vector<16xf32>
      %select_n3A_155 = arith.select %eq3A_152, %broadcast_in_dim3A_154, %select_n3A_93 : vector<16xi1>, vector<16xf32>
      %eq3A_156 = vector.broadcast %reduce_max3A_137 : f32 to vector<16xf32>
      %eq3A_157 = arith.cmpf oeq, %convert_element_type3A_38, %eq3A_156 : vector<16xf32>
      %jit3A_158 = arith.constant -1.000000e+00 : f32
      %broadcast_in_dim3A_159 = vector.broadcast %jit3A_158 : f32 to vector<16xf32>
      %select_n3A_160 = arith.select %eq3A_157, %broadcast_in_dim3A_159, %select_n3A_98 : vector<16xi1>, vector<16xf32>
      %eq3A_161 = vector.broadcast %reduce_max3A_137 : f32 to vector<16xf32>
      %eq3A_162 = arith.cmpf oeq, %convert_element_type3A_45, %eq3A_161 : vector<16xf32>
      %jit3A_163 = arith.constant -1.000000e+00 : f32
      %broadcast_in_dim3A_164 = vector.broadcast %jit3A_163 : f32 to vector<16xf32>
      %select_n3A_165 = arith.select %eq3A_162, %broadcast_in_dim3A_164, %select_n3A_103 : vector<16xi1>, vector<16xf32>
      %max3A_166 = arith.maximumf %select_n3A_150, %select_n3A_155 : vector<16xf32>
      %max3A_167 = arith.maximumf %select_n3A_160, %select_n3A_165 : vector<16xf32>
      %max3A_168 = arith.maximumf %max3A_166, %max3A_167 : vector<16xf32>
      %reduce_max3A_169 = arith.constant true
      %reduce_max3A_170 = vector.broadcast %reduce_max3A_169 : i1 to vector<16xi1>
      %reduce_max3A_171 = tpu.scan <max>, %max3A_168 masked %reduce_max3A_170 : vector<16xf32>, vector<16xi1> -> vector<16xf32>
      %reduce_max3A_172 = vector.extract %reduce_max3A_171[15] : f32 from vector<16xf32>
      %eq3A_173 = vector.broadcast %reduce_max3A_172 : f32 to vector<16xf32>
      %eq3A_174 = arith.cmpf oeq, %select_n3A_150, %eq3A_173 : vector<16xf32>
      %jit3A_175 = arith.constant -1.000000e+00 : f32
      %broadcast_in_dim3A_176 = vector.broadcast %jit3A_175 : f32 to vector<16xf32>
      %select_n3A_177 = arith.select %eq3A_174, %convert_element_type3A, %broadcast_in_dim3A_176 : vector<16xi1>, vector<16xf32>
      %eq3A_178 = vector.broadcast %reduce_max3A_172 : f32 to vector<16xf32>
      %eq3A_179 = arith.cmpf oeq, %select_n3A_155, %eq3A_178 : vector<16xf32>
      %jit3A_180 = arith.constant -1.000000e+00 : f32
      %broadcast_in_dim3A_181 = vector.broadcast %jit3A_180 : f32 to vector<16xf32>
      %select_n3A_182 = arith.select %eq3A_179, %convert_element_type3A_31, %broadcast_in_dim3A_181 : vector<16xi1>, vector<16xf32>
      %max3A_183 = arith.maximumf %select_n3A_177, %select_n3A_182 : vector<16xf32>
      %eq3A_184 = vector.broadcast %reduce_max3A_172 : f32 to vector<16xf32>
      %eq3A_185 = arith.cmpf oeq, %select_n3A_160, %eq3A_184 : vector<16xf32>
      %jit3A_186 = arith.constant -1.000000e+00 : f32
      %broadcast_in_dim3A_187 = vector.broadcast %jit3A_186 : f32 to vector<16xf32>
      %select_n3A_188 = arith.select %eq3A_185, %convert_element_type3A_38, %broadcast_in_dim3A_187 : vector<16xi1>, vector<16xf32>
      %eq3A_189 = vector.broadcast %reduce_max3A_172 : f32 to vector<16xf32>
      %eq3A_190 = arith.cmpf oeq, %select_n3A_165, %eq3A_189 : vector<16xf32>
      %jit3A_191 = arith.constant -1.000000e+00 : f32
      %broadcast_in_dim3A_192 = vector.broadcast %jit3A_191 : f32 to vector<16xf32>
      %select_n3A_193 = arith.select %eq3A_190, %convert_element_type3A_45, %broadcast_in_dim3A_192 : vector<16xi1>, vector<16xf32>
      %max3A_194 = arith.maximumf %select_n3A_188, %select_n3A_193 : vector<16xf32>
      %max3A_195 = arith.maximumf %max3A_183, %max3A_194 : vector<16xf32>
      %reduce_max3A_196 = arith.constant true
      %reduce_max3A_197 = vector.broadcast %reduce_max3A_196 : i1 to vector<16xi1>
      %reduce_max3A_198 = tpu.scan <max>, %max3A_195 masked %reduce_max3A_197 : vector<16xf32>, vector<16xi1> -> vector<16xf32>
      %reduce_max3A_199 = vector.extract %reduce_max3A_198[15] : f32 from vector<16xf32>
      %convert_element_type3A_200 = arith.fptosi %reduce_max3A_199 : f32 to i32
      %sub3A_201 = arith.constant 63 : i32
      %sub3A_202 = arith.subi %sub3A_201, %convert_element_type3A_200 : i32
      %eq3A_203 = arith.constant 2 : i32
      %eq3A_204 = vector.broadcast %eq3A_203 : i32 to vector<16xi32>
      %eq3A_205 = arith.cmpi eq, %iota3A, %eq3A_204 : vector<16xi32>
      %broadcast_in_dim3A_206 = vector.broadcast %sub3A_202 : i32 to vector<16xi32>
      %select_n3A_207 = arith.select %eq3A_205, %broadcast_in_dim3A_206, %select_n3A_145 : vector<16xi1>, vector<16xi32>
      %eq3A_208 = vector.broadcast %reduce_max3A_199 : f32 to vector<16xf32>
      %eq3A_209 = arith.cmpf oeq, %convert_element_type3A, %eq3A_208 : vector<16xf32>
      %jit3A_210 = arith.constant -1.000000e+00 : f32
      %broadcast_in_dim3A_211 = vector.broadcast %jit3A_210 : f32 to vector<16xf32>
      %select_n3A_212 = arith.select %eq3A_209, %broadcast_in_dim3A_211, %select_n3A_150 : vector<16xi1>, vector<16xf32>
      %eq3A_213 = vector.broadcast %reduce_max3A_199 : f32 to vector<16xf32>
      %eq3A_214 = arith.cmpf oeq, %convert_element_type3A_31, %eq3A_213 : vector<16xf32>
      %jit3A_215 = arith.constant -1.000000e+00 : f32
      %broadcast_in_dim3A_216 = vector.broadcast %jit3A_215 : f32 to vector<16xf32>
      %select_n3A_217 = arith.select %eq3A_214, %broadcast_in_dim3A_216, %select_n3A_155 : vector<16xi1>, vector<16xf32>
      %eq3A_218 = vector.broadcast %reduce_max3A_199 : f32 to vector<16xf32>
      %eq3A_219 = arith.cmpf oeq, %convert_element_type3A_38, %eq3A_218 : vector<16xf32>
      %jit3A_220 = arith.constant -1.000000e+00 : f32
      %broadcast_in_dim3A_221 = vector.broadcast %jit3A_220 : f32 to vector<16xf32>
      %select_n3A_222 = arith.select %eq3A_219, %broadcast_in_dim3A_221, %select_n3A_160 : vector<16xi1>, vector<16xf32>
      %eq3A_223 = vector.broadcast %reduce_max3A_199 : f32 to vector<16xf32>
      %eq3A_224 = arith.cmpf oeq, %convert_element_type3A_45, %eq3A_223 : vector<16xf32>
      %jit3A_225 = arith.constant -1.000000e+00 : f32
      %broadcast_in_dim3A_226 = vector.broadcast %jit3A_225 : f32 to vector<16xf32>
      %select_n3A_227 = arith.select %eq3A_224, %broadcast_in_dim3A_226, %select_n3A_165 : vector<16xi1>, vector<16xf32>
      %max3A_228 = arith.maximumf %select_n3A_212, %select_n3A_217 : vector<16xf32>
      %max3A_229 = arith.maximumf %select_n3A_222, %select_n3A_227 : vector<16xf32>
      %max3A_230 = arith.maximumf %max3A_228, %max3A_229 : vector<16xf32>
      %reduce_max3A_231 = arith.constant true
      %reduce_max3A_232 = vector.broadcast %reduce_max3A_231 : i1 to vector<16xi1>
      %reduce_max3A_233 = tpu.scan <max>, %max3A_230 masked %reduce_max3A_232 : vector<16xf32>, vector<16xi1> -> vector<16xf32>
      %reduce_max3A_234 = vector.extract %reduce_max3A_233[15] : f32 from vector<16xf32>
      %eq3A_235 = vector.broadcast %reduce_max3A_234 : f32 to vector<16xf32>
      %eq3A_236 = arith.cmpf oeq, %select_n3A_212, %eq3A_235 : vector<16xf32>
      %jit3A_237 = arith.constant -1.000000e+00 : f32
      %broadcast_in_dim3A_238 = vector.broadcast %jit3A_237 : f32 to vector<16xf32>
      %select_n3A_239 = arith.select %eq3A_236, %convert_element_type3A, %broadcast_in_dim3A_238 : vector<16xi1>, vector<16xf32>
      %eq3A_240 = vector.broadcast %reduce_max3A_234 : f32 to vector<16xf32>
      %eq3A_241 = arith.cmpf oeq, %select_n3A_217, %eq3A_240 : vector<16xf32>
      %jit3A_242 = arith.constant -1.000000e+00 : f32
      %broadcast_in_dim3A_243 = vector.broadcast %jit3A_242 : f32 to vector<16xf32>
      %select_n3A_244 = arith.select %eq3A_241, %convert_element_type3A_31, %broadcast_in_dim3A_243 : vector<16xi1>, vector<16xf32>
      %max3A_245 = arith.maximumf %select_n3A_239, %select_n3A_244 : vector<16xf32>
      %eq3A_246 = vector.broadcast %reduce_max3A_234 : f32 to vector<16xf32>
      %eq3A_247 = arith.cmpf oeq, %select_n3A_222, %eq3A_246 : vector<16xf32>
      %jit3A_248 = arith.constant -1.000000e+00 : f32
      %broadcast_in_dim3A_249 = vector.broadcast %jit3A_248 : f32 to vector<16xf32>
      %select_n3A_250 = arith.select %eq3A_247, %convert_element_type3A_38, %broadcast_in_dim3A_249 : vector<16xi1>, vector<16xf32>
      %eq3A_251 = vector.broadcast %reduce_max3A_234 : f32 to vector<16xf32>
      %eq3A_252 = arith.cmpf oeq, %select_n3A_227, %eq3A_251 : vector<16xf32>
      %jit3A_253 = arith.constant -1.000000e+00 : f32
      %broadcast_in_dim3A_254 = vector.broadcast %jit3A_253 : f32 to vector<16xf32>
      %select_n3A_255 = arith.select %eq3A_252, %convert_element_type3A_45, %broadcast_in_dim3A_254 : vector<16xi1>, vector<16xf32>
      %max3A_256 = arith.maximumf %select_n3A_250, %select_n3A_255 : vector<16xf32>
      %max3A_257 = arith.maximumf %max3A_245, %max3A_256 : vector<16xf32>
      %reduce_max3A_258 = arith.constant true
      %reduce_max3A_259 = vector.broadcast %reduce_max3A_258 : i1 to vector<16xi1>
      %reduce_max3A_260 = tpu.scan <max>, %max3A_257 masked %reduce_max3A_259 : vector<16xf32>, vector<16xi1> -> vector<16xf32>
      %reduce_max3A_261 = vector.extract %reduce_max3A_260[15] : f32 from vector<16xf32>
      %convert_element_type3A_262 = arith.fptosi %reduce_max3A_261 : f32 to i32
      %sub3A_263 = arith.constant 63 : i32
      %sub3A_264 = arith.subi %sub3A_263, %convert_element_type3A_262 : i32
      %eq3A_265 = arith.constant 3 : i32
      %eq3A_266 = vector.broadcast %eq3A_265 : i32 to vector<16xi32>
      %eq3A_267 = arith.cmpi eq, %iota3A, %eq3A_266 : vector<16xi32>
      %broadcast_in_dim3A_268 = vector.broadcast %sub3A_264 : i32 to vector<16xi32>
      %select_n3A_269 = arith.select %eq3A_267, %broadcast_in_dim3A_268, %select_n3A_207 : vector<16xi1>, vector<16xi32>
      %eq3A_270 = vector.broadcast %reduce_max3A_261 : f32 to vector<16xf32>
      %eq3A_271 = arith.cmpf oeq, %convert_element_type3A, %eq3A_270 : vector<16xf32>
      %jit3A_272 = arith.constant -1.000000e+00 : f32
      %broadcast_in_dim3A_273 = vector.broadcast %jit3A_272 : f32 to vector<16xf32>
      %select_n3A_274 = arith.select %eq3A_271, %broadcast_in_dim3A_273, %select_n3A_212 : vector<16xi1>, vector<16xf32>
      %eq3A_275 = vector.broadcast %reduce_max3A_261 : f32 to vector<16xf32>
      %eq3A_276 = arith.cmpf oeq, %convert_element_type3A_31, %eq3A_275 : vector<16xf32>
      %jit3A_277 = arith.constant -1.000000e+00 : f32
      %broadcast_in_dim3A_278 = vector.broadcast %jit3A_277 : f32 to vector<16xf32>
      %select_n3A_279 = arith.select %eq3A_276, %broadcast_in_dim3A_278, %select_n3A_217 : vector<16xi1>, vector<16xf32>
      %eq3A_280 = vector.broadcast %reduce_max3A_261 : f32 to vector<16xf32>
      %eq3A_281 = arith.cmpf oeq, %convert_element_type3A_38, %eq3A_280 : vector<16xf32>
      %jit3A_282 = arith.constant -1.000000e+00 : f32
      %broadcast_in_dim3A_283 = vector.broadcast %jit3A_282 : f32 to vector<16xf32>
      %select_n3A_284 = arith.select %eq3A_281, %broadcast_in_dim3A_283, %select_n3A_222 : vector<16xi1>, vector<16xf32>
      %eq3A_285 = vector.broadcast %reduce_max3A_261 : f32 to vector<16xf32>
      %eq3A_286 = arith.cmpf oeq, %convert_element_type3A_45, %eq3A_285 : vector<16xf32>
      %jit3A_287 = arith.constant -1.000000e+00 : f32
      %broadcast_in_dim3A_288 = vector.broadcast %jit3A_287 : f32 to vector<16xf32>
      %select_n3A_289 = arith.select %eq3A_286, %broadcast_in_dim3A_288, %select_n3A_227 : vector<16xi1>, vector<16xf32>
      %max3A_290 = arith.maximumf %select_n3A_274, %select_n3A_279 : vector<16xf32>
      %max3A_291 = arith.maximumf %select_n3A_284, %select_n3A_289 : vector<16xf32>
      %max3A_292 = arith.maximumf %max3A_290, %max3A_291 : vector<16xf32>
      %reduce_max3A_293 = arith.constant true
      %reduce_max3A_294 = vector.broadcast %reduce_max3A_293 : i1 to vector<16xi1>
      %reduce_max3A_295 = tpu.scan <max>, %max3A_292 masked %reduce_max3A_294 : vector<16xf32>, vector<16xi1> -> vector<16xf32>
      %reduce_max3A_296 = vector.extract %reduce_max3A_295[15] : f32 from vector<16xf32>
      %eq3A_297 = vector.broadcast %reduce_max3A_296 : f32 to vector<16xf32>
      %eq3A_298 = arith.cmpf oeq, %select_n3A_274, %eq3A_297 : vector<16xf32>
      %jit3A_299 = arith.constant -1.000000e+00 : f32
      %broadcast_in_dim3A_300 = vector.broadcast %jit3A_299 : f32 to vector<16xf32>
      %select_n3A_301 = arith.select %eq3A_298, %convert_element_type3A, %broadcast_in_dim3A_300 : vector<16xi1>, vector<16xf32>
      %eq3A_302 = vector.broadcast %reduce_max3A_296 : f32 to vector<16xf32>
      %eq3A_303 = arith.cmpf oeq, %select_n3A_279, %eq3A_302 : vector<16xf32>
      %jit3A_304 = arith.constant -1.000000e+00 : f32
      %broadcast_in_dim3A_305 = vector.broadcast %jit3A_304 : f32 to vector<16xf32>
      %select_n3A_306 = arith.select %eq3A_303, %convert_element_type3A_31, %broadcast_in_dim3A_305 : vector<16xi1>, vector<16xf32>
      %max3A_307 = arith.maximumf %select_n3A_301, %select_n3A_306 : vector<16xf32>
      %eq3A_308 = vector.broadcast %reduce_max3A_296 : f32 to vector<16xf32>
      %eq3A_309 = arith.cmpf oeq, %select_n3A_284, %eq3A_308 : vector<16xf32>
      %jit3A_310 = arith.constant -1.000000e+00 : f32
      %broadcast_in_dim3A_311 = vector.broadcast %jit3A_310 : f32 to vector<16xf32>
      %select_n3A_312 = arith.select %eq3A_309, %convert_element_type3A_38, %broadcast_in_dim3A_311 : vector<16xi1>, vector<16xf32>
      %eq3A_313 = vector.broadcast %reduce_max3A_296 : f32 to vector<16xf32>
      %eq3A_314 = arith.cmpf oeq, %select_n3A_289, %eq3A_313 : vector<16xf32>
      %jit3A_315 = arith.constant -1.000000e+00 : f32
      %broadcast_in_dim3A_316 = vector.broadcast %jit3A_315 : f32 to vector<16xf32>
      %select_n3A_317 = arith.select %eq3A_314, %convert_element_type3A_45, %broadcast_in_dim3A_316 : vector<16xi1>, vector<16xf32>
      %max3A_318 = arith.maximumf %select_n3A_312, %select_n3A_317 : vector<16xf32>
      %max3A_319 = arith.maximumf %max3A_307, %max3A_318 : vector<16xf32>
      %reduce_max3A_320 = arith.constant true
      %reduce_max3A_321 = vector.broadcast %reduce_max3A_320 : i1 to vector<16xi1>
      %reduce_max3A_322 = tpu.scan <max>, %max3A_319 masked %reduce_max3A_321 : vector<16xf32>, vector<16xi1> -> vector<16xf32>
      %reduce_max3A_323 = vector.extract %reduce_max3A_322[15] : f32 from vector<16xf32>
      %convert_element_type3A_324 = arith.fptosi %reduce_max3A_323 : f32 to i32
      %sub3A_325 = arith.constant 63 : i32
      %sub3A_326 = arith.subi %sub3A_325, %convert_element_type3A_324 : i32
      %eq3A_327 = arith.constant 4 : i32
      %eq3A_328 = vector.broadcast %eq3A_327 : i32 to vector<16xi32>
      %eq3A_329 = arith.cmpi eq, %iota3A, %eq3A_328 : vector<16xi32>
      %broadcast_in_dim3A_330 = vector.broadcast %sub3A_326 : i32 to vector<16xi32>
      %select_n3A_331 = arith.select %eq3A_329, %broadcast_in_dim3A_330, %select_n3A_269 : vector<16xi1>, vector<16xi32>
      %eq3A_332 = vector.broadcast %reduce_max3A_323 : f32 to vector<16xf32>
      %eq3A_333 = arith.cmpf oeq, %convert_element_type3A, %eq3A_332 : vector<16xf32>
      %jit3A_334 = arith.constant -1.000000e+00 : f32
      %broadcast_in_dim3A_335 = vector.broadcast %jit3A_334 : f32 to vector<16xf32>
      %select_n3A_336 = arith.select %eq3A_333, %broadcast_in_dim3A_335, %select_n3A_274 : vector<16xi1>, vector<16xf32>
      %eq3A_337 = vector.broadcast %reduce_max3A_323 : f32 to vector<16xf32>
      %eq3A_338 = arith.cmpf oeq, %convert_element_type3A_31, %eq3A_337 : vector<16xf32>
      %jit3A_339 = arith.constant -1.000000e+00 : f32
      %broadcast_in_dim3A_340 = vector.broadcast %jit3A_339 : f32 to vector<16xf32>
      %select_n3A_341 = arith.select %eq3A_338, %broadcast_in_dim3A_340, %select_n3A_279 : vector<16xi1>, vector<16xf32>
      %eq3A_342 = vector.broadcast %reduce_max3A_323 : f32 to vector<16xf32>
      %eq3A_343 = arith.cmpf oeq, %convert_element_type3A_38, %eq3A_342 : vector<16xf32>
      %jit3A_344 = arith.constant -1.000000e+00 : f32
      %broadcast_in_dim3A_345 = vector.broadcast %jit3A_344 : f32 to vector<16xf32>
      %select_n3A_346 = arith.select %eq3A_343, %broadcast_in_dim3A_345, %select_n3A_284 : vector<16xi1>, vector<16xf32>
      %eq3A_347 = vector.broadcast %reduce_max3A_323 : f32 to vector<16xf32>
      %eq3A_348 = arith.cmpf oeq, %convert_element_type3A_45, %eq3A_347 : vector<16xf32>
      %jit3A_349 = arith.constant -1.000000e+00 : f32
      %broadcast_in_dim3A_350 = vector.broadcast %jit3A_349 : f32 to vector<16xf32>
      %select_n3A_351 = arith.select %eq3A_348, %broadcast_in_dim3A_350, %select_n3A_289 : vector<16xi1>, vector<16xf32>
      %max3A_352 = arith.maximumf %select_n3A_336, %select_n3A_341 : vector<16xf32>
      %max3A_353 = arith.maximumf %select_n3A_346, %select_n3A_351 : vector<16xf32>
      %max3A_354 = arith.maximumf %max3A_352, %max3A_353 : vector<16xf32>
      %reduce_max3A_355 = arith.constant true
      %reduce_max3A_356 = vector.broadcast %reduce_max3A_355 : i1 to vector<16xi1>
      %reduce_max3A_357 = tpu.scan <max>, %max3A_354 masked %reduce_max3A_356 : vector<16xf32>, vector<16xi1> -> vector<16xf32>
      %reduce_max3A_358 = vector.extract %reduce_max3A_357[15] : f32 from vector<16xf32>
      %eq3A_359 = vector.broadcast %reduce_max3A_358 : f32 to vector<16xf32>
      %eq3A_360 = arith.cmpf oeq, %select_n3A_336, %eq3A_359 : vector<16xf32>
      %jit3A_361 = arith.constant -1.000000e+00 : f32
      %broadcast_in_dim3A_362 = vector.broadcast %jit3A_361 : f32 to vector<16xf32>
      %select_n3A_363 = arith.select %eq3A_360, %convert_element_type3A, %broadcast_in_dim3A_362 : vector<16xi1>, vector<16xf32>
      %eq3A_364 = vector.broadcast %reduce_max3A_358 : f32 to vector<16xf32>
      %eq3A_365 = arith.cmpf oeq, %select_n3A_341, %eq3A_364 : vector<16xf32>
      %jit3A_366 = arith.constant -1.000000e+00 : f32
      %broadcast_in_dim3A_367 = vector.broadcast %jit3A_366 : f32 to vector<16xf32>
      %select_n3A_368 = arith.select %eq3A_365, %convert_element_type3A_31, %broadcast_in_dim3A_367 : vector<16xi1>, vector<16xf32>
      %max3A_369 = arith.maximumf %select_n3A_363, %select_n3A_368 : vector<16xf32>
      %eq3A_370 = vector.broadcast %reduce_max3A_358 : f32 to vector<16xf32>
      %eq3A_371 = arith.cmpf oeq, %select_n3A_346, %eq3A_370 : vector<16xf32>
      %jit3A_372 = arith.constant -1.000000e+00 : f32
      %broadcast_in_dim3A_373 = vector.broadcast %jit3A_372 : f32 to vector<16xf32>
      %select_n3A_374 = arith.select %eq3A_371, %convert_element_type3A_38, %broadcast_in_dim3A_373 : vector<16xi1>, vector<16xf32>
      %eq3A_375 = vector.broadcast %reduce_max3A_358 : f32 to vector<16xf32>
      %eq3A_376 = arith.cmpf oeq, %select_n3A_351, %eq3A_375 : vector<16xf32>
      %jit3A_377 = arith.constant -1.000000e+00 : f32
      %broadcast_in_dim3A_378 = vector.broadcast %jit3A_377 : f32 to vector<16xf32>
      %select_n3A_379 = arith.select %eq3A_376, %convert_element_type3A_45, %broadcast_in_dim3A_378 : vector<16xi1>, vector<16xf32>
      %max3A_380 = arith.maximumf %select_n3A_374, %select_n3A_379 : vector<16xf32>
      %max3A_381 = arith.maximumf %max3A_369, %max3A_380 : vector<16xf32>
      %reduce_max3A_382 = arith.constant true
      %reduce_max3A_383 = vector.broadcast %reduce_max3A_382 : i1 to vector<16xi1>
      %reduce_max3A_384 = tpu.scan <max>, %max3A_381 masked %reduce_max3A_383 : vector<16xf32>, vector<16xi1> -> vector<16xf32>
      %reduce_max3A_385 = vector.extract %reduce_max3A_384[15] : f32 from vector<16xf32>
      %convert_element_type3A_386 = arith.fptosi %reduce_max3A_385 : f32 to i32
      %sub3A_387 = arith.constant 63 : i32
      %sub3A_388 = arith.subi %sub3A_387, %convert_element_type3A_386 : i32
      %eq3A_389 = arith.constant 5 : i32
      %eq3A_390 = vector.broadcast %eq3A_389 : i32 to vector<16xi32>
      %eq3A_391 = arith.cmpi eq, %iota3A, %eq3A_390 : vector<16xi32>
      %broadcast_in_dim3A_392 = vector.broadcast %sub3A_388 : i32 to vector<16xi32>
      %select_n3A_393 = arith.select %eq3A_391, %broadcast_in_dim3A_392, %select_n3A_331 : vector<16xi1>, vector<16xi32>
      %eq3A_394 = vector.broadcast %reduce_max3A_385 : f32 to vector<16xf32>
      %eq3A_395 = arith.cmpf oeq, %convert_element_type3A, %eq3A_394 : vector<16xf32>
      %jit3A_396 = arith.constant -1.000000e+00 : f32
      %broadcast_in_dim3A_397 = vector.broadcast %jit3A_396 : f32 to vector<16xf32>
      %select_n3A_398 = arith.select %eq3A_395, %broadcast_in_dim3A_397, %select_n3A_336 : vector<16xi1>, vector<16xf32>
      %eq3A_399 = vector.broadcast %reduce_max3A_385 : f32 to vector<16xf32>
      %eq3A_400 = arith.cmpf oeq, %convert_element_type3A_31, %eq3A_399 : vector<16xf32>
      %jit3A_401 = arith.constant -1.000000e+00 : f32
      %broadcast_in_dim3A_402 = vector.broadcast %jit3A_401 : f32 to vector<16xf32>
      %select_n3A_403 = arith.select %eq3A_400, %broadcast_in_dim3A_402, %select_n3A_341 : vector<16xi1>, vector<16xf32>
      %eq3A_404 = vector.broadcast %reduce_max3A_385 : f32 to vector<16xf32>
      %eq3A_405 = arith.cmpf oeq, %convert_element_type3A_38, %eq3A_404 : vector<16xf32>
      %jit3A_406 = arith.constant -1.000000e+00 : f32
      %broadcast_in_dim3A_407 = vector.broadcast %jit3A_406 : f32 to vector<16xf32>
      %select_n3A_408 = arith.select %eq3A_405, %broadcast_in_dim3A_407, %select_n3A_346 : vector<16xi1>, vector<16xf32>
      %eq3A_409 = vector.broadcast %reduce_max3A_385 : f32 to vector<16xf32>
      %eq3A_410 = arith.cmpf oeq, %convert_element_type3A_45, %eq3A_409 : vector<16xf32>
      %jit3A_411 = arith.constant -1.000000e+00 : f32
      %broadcast_in_dim3A_412 = vector.broadcast %jit3A_411 : f32 to vector<16xf32>
      %select_n3A_413 = arith.select %eq3A_410, %broadcast_in_dim3A_412, %select_n3A_351 : vector<16xi1>, vector<16xf32>
      %max3A_414 = arith.maximumf %select_n3A_398, %select_n3A_403 : vector<16xf32>
      %max3A_415 = arith.maximumf %select_n3A_408, %select_n3A_413 : vector<16xf32>
      %max3A_416 = arith.maximumf %max3A_414, %max3A_415 : vector<16xf32>
      %reduce_max3A_417 = arith.constant true
      %reduce_max3A_418 = vector.broadcast %reduce_max3A_417 : i1 to vector<16xi1>
      %reduce_max3A_419 = tpu.scan <max>, %max3A_416 masked %reduce_max3A_418 : vector<16xf32>, vector<16xi1> -> vector<16xf32>
      %reduce_max3A_420 = vector.extract %reduce_max3A_419[15] : f32 from vector<16xf32>
      %eq3A_421 = vector.broadcast %reduce_max3A_420 : f32 to vector<16xf32>
      %eq3A_422 = arith.cmpf oeq, %select_n3A_398, %eq3A_421 : vector<16xf32>
      %jit3A_423 = arith.constant -1.000000e+00 : f32
      %broadcast_in_dim3A_424 = vector.broadcast %jit3A_423 : f32 to vector<16xf32>
      %select_n3A_425 = arith.select %eq3A_422, %convert_element_type3A, %broadcast_in_dim3A_424 : vector<16xi1>, vector<16xf32>
      %eq3A_426 = vector.broadcast %reduce_max3A_420 : f32 to vector<16xf32>
      %eq3A_427 = arith.cmpf oeq, %select_n3A_403, %eq3A_426 : vector<16xf32>
      %jit3A_428 = arith.constant -1.000000e+00 : f32
      %broadcast_in_dim3A_429 = vector.broadcast %jit3A_428 : f32 to vector<16xf32>
      %select_n3A_430 = arith.select %eq3A_427, %convert_element_type3A_31, %broadcast_in_dim3A_429 : vector<16xi1>, vector<16xf32>
      %max3A_431 = arith.maximumf %select_n3A_425, %select_n3A_430 : vector<16xf32>
      %eq3A_432 = vector.broadcast %reduce_max3A_420 : f32 to vector<16xf32>
      %eq3A_433 = arith.cmpf oeq, %select_n3A_408, %eq3A_432 : vector<16xf32>
      %jit3A_434 = arith.constant -1.000000e+00 : f32
      %broadcast_in_dim3A_435 = vector.broadcast %jit3A_434 : f32 to vector<16xf32>
      %select_n3A_436 = arith.select %eq3A_433, %convert_element_type3A_38, %broadcast_in_dim3A_435 : vector<16xi1>, vector<16xf32>
      %eq3A_437 = vector.broadcast %reduce_max3A_420 : f32 to vector<16xf32>
      %eq3A_438 = arith.cmpf oeq, %select_n3A_413, %eq3A_437 : vector<16xf32>
      %jit3A_439 = arith.constant -1.000000e+00 : f32
      %broadcast_in_dim3A_440 = vector.broadcast %jit3A_439 : f32 to vector<16xf32>
      %select_n3A_441 = arith.select %eq3A_438, %convert_element_type3A_45, %broadcast_in_dim3A_440 : vector<16xi1>, vector<16xf32>
      %max3A_442 = arith.maximumf %select_n3A_436, %select_n3A_441 : vector<16xf32>
      %max3A_443 = arith.maximumf %max3A_431, %max3A_442 : vector<16xf32>
      %reduce_max3A_444 = arith.constant true
      %reduce_max3A_445 = vector.broadcast %reduce_max3A_444 : i1 to vector<16xi1>
      %reduce_max3A_446 = tpu.scan <max>, %max3A_443 masked %reduce_max3A_445 : vector<16xf32>, vector<16xi1> -> vector<16xf32>
      %reduce_max3A_447 = vector.extract %reduce_max3A_446[15] : f32 from vector<16xf32>
      %convert_element_type3A_448 = arith.fptosi %reduce_max3A_447 : f32 to i32
      %sub3A_449 = arith.constant 63 : i32
      %sub3A_450 = arith.subi %sub3A_449, %convert_element_type3A_448 : i32
      %eq3A_451 = arith.constant 6 : i32
      %eq3A_452 = vector.broadcast %eq3A_451 : i32 to vector<16xi32>
      %eq3A_453 = arith.cmpi eq, %iota3A, %eq3A_452 : vector<16xi32>
      %broadcast_in_dim3A_454 = vector.broadcast %sub3A_450 : i32 to vector<16xi32>
      %select_n3A_455 = arith.select %eq3A_453, %broadcast_in_dim3A_454, %select_n3A_393 : vector<16xi1>, vector<16xi32>
      %eq3A_456 = vector.broadcast %reduce_max3A_447 : f32 to vector<16xf32>
      %eq3A_457 = arith.cmpf oeq, %convert_element_type3A, %eq3A_456 : vector<16xf32>
      %jit3A_458 = arith.constant -1.000000e+00 : f32
      %broadcast_in_dim3A_459 = vector.broadcast %jit3A_458 : f32 to vector<16xf32>
      %select_n3A_460 = arith.select %eq3A_457, %broadcast_in_dim3A_459, %select_n3A_398 : vector<16xi1>, vector<16xf32>
      %eq3A_461 = vector.broadcast %reduce_max3A_447 : f32 to vector<16xf32>
      %eq3A_462 = arith.cmpf oeq, %convert_element_type3A_31, %eq3A_461 : vector<16xf32>
      %jit3A_463 = arith.constant -1.000000e+00 : f32
      %broadcast_in_dim3A_464 = vector.broadcast %jit3A_463 : f32 to vector<16xf32>
      %select_n3A_465 = arith.select %eq3A_462, %broadcast_in_dim3A_464, %select_n3A_403 : vector<16xi1>, vector<16xf32>
      %eq3A_466 = vector.broadcast %reduce_max3A_447 : f32 to vector<16xf32>
      %eq3A_467 = arith.cmpf oeq, %convert_element_type3A_38, %eq3A_466 : vector<16xf32>
      %jit3A_468 = arith.constant -1.000000e+00 : f32
      %broadcast_in_dim3A_469 = vector.broadcast %jit3A_468 : f32 to vector<16xf32>
      %select_n3A_470 = arith.select %eq3A_467, %broadcast_in_dim3A_469, %select_n3A_408 : vector<16xi1>, vector<16xf32>
      %eq3A_471 = vector.broadcast %reduce_max3A_447 : f32 to vector<16xf32>
      %eq3A_472 = arith.cmpf oeq, %convert_element_type3A_45, %eq3A_471 : vector<16xf32>
      %jit3A_473 = arith.constant -1.000000e+00 : f32
      %broadcast_in_dim3A_474 = vector.broadcast %jit3A_473 : f32 to vector<16xf32>
      %select_n3A_475 = arith.select %eq3A_472, %broadcast_in_dim3A_474, %select_n3A_413 : vector<16xi1>, vector<16xf32>
      %max3A_476 = arith.maximumf %select_n3A_460, %select_n3A_465 : vector<16xf32>
      %max3A_477 = arith.maximumf %select_n3A_470, %select_n3A_475 : vector<16xf32>
      %max3A_478 = arith.maximumf %max3A_476, %max3A_477 : vector<16xf32>
      %reduce_max3A_479 = arith.constant true
      %reduce_max3A_480 = vector.broadcast %reduce_max3A_479 : i1 to vector<16xi1>
      %reduce_max3A_481 = tpu.scan <max>, %max3A_478 masked %reduce_max3A_480 : vector<16xf32>, vector<16xi1> -> vector<16xf32>
      %reduce_max3A_482 = vector.extract %reduce_max3A_481[15] : f32 from vector<16xf32>
      %eq3A_483 = vector.broadcast %reduce_max3A_482 : f32 to vector<16xf32>
      %eq3A_484 = arith.cmpf oeq, %select_n3A_460, %eq3A_483 : vector<16xf32>
      %jit3A_485 = arith.constant -1.000000e+00 : f32
      %broadcast_in_dim3A_486 = vector.broadcast %jit3A_485 : f32 to vector<16xf32>
      %select_n3A_487 = arith.select %eq3A_484, %convert_element_type3A, %broadcast_in_dim3A_486 : vector<16xi1>, vector<16xf32>
      %eq3A_488 = vector.broadcast %reduce_max3A_482 : f32 to vector<16xf32>
      %eq3A_489 = arith.cmpf oeq, %select_n3A_465, %eq3A_488 : vector<16xf32>
      %jit3A_490 = arith.constant -1.000000e+00 : f32
      %broadcast_in_dim3A_491 = vector.broadcast %jit3A_490 : f32 to vector<16xf32>
      %select_n3A_492 = arith.select %eq3A_489, %convert_element_type3A_31, %broadcast_in_dim3A_491 : vector<16xi1>, vector<16xf32>
      %max3A_493 = arith.maximumf %select_n3A_487, %select_n3A_492 : vector<16xf32>
      %eq3A_494 = vector.broadcast %reduce_max3A_482 : f32 to vector<16xf32>
      %eq3A_495 = arith.cmpf oeq, %select_n3A_470, %eq3A_494 : vector<16xf32>
      %jit3A_496 = arith.constant -1.000000e+00 : f32
      %broadcast_in_dim3A_497 = vector.broadcast %jit3A_496 : f32 to vector<16xf32>
      %select_n3A_498 = arith.select %eq3A_495, %convert_element_type3A_38, %broadcast_in_dim3A_497 : vector<16xi1>, vector<16xf32>
      %eq3A_499 = vector.broadcast %reduce_max3A_482 : f32 to vector<16xf32>
      %eq3A_500 = arith.cmpf oeq, %select_n3A_475, %eq3A_499 : vector<16xf32>
      %jit3A_501 = arith.constant -1.000000e+00 : f32
      %broadcast_in_dim3A_502 = vector.broadcast %jit3A_501 : f32 to vector<16xf32>
      %select_n3A_503 = arith.select %eq3A_500, %convert_element_type3A_45, %broadcast_in_dim3A_502 : vector<16xi1>, vector<16xf32>
      %max3A_504 = arith.maximumf %select_n3A_498, %select_n3A_503 : vector<16xf32>
      %max3A_505 = arith.maximumf %max3A_493, %max3A_504 : vector<16xf32>
      %reduce_max3A_506 = arith.constant true
      %reduce_max3A_507 = vector.broadcast %reduce_max3A_506 : i1 to vector<16xi1>
      %reduce_max3A_508 = tpu.scan <max>, %max3A_505 masked %reduce_max3A_507 : vector<16xf32>, vector<16xi1> -> vector<16xf32>
      %reduce_max3A_509 = vector.extract %reduce_max3A_508[15] : f32 from vector<16xf32>
      %convert_element_type3A_510 = arith.fptosi %reduce_max3A_509 : f32 to i32
      %sub3A_511 = arith.constant 63 : i32
      %sub3A_512 = arith.subi %sub3A_511, %convert_element_type3A_510 : i32
      %eq3A_513 = arith.constant 7 : i32
      %eq3A_514 = vector.broadcast %eq3A_513 : i32 to vector<16xi32>
      %eq3A_515 = arith.cmpi eq, %iota3A, %eq3A_514 : vector<16xi32>
      %broadcast_in_dim3A_516 = vector.broadcast %sub3A_512 : i32 to vector<16xi32>
      %select_n3A_517 = arith.select %eq3A_515, %broadcast_in_dim3A_516, %select_n3A_455 : vector<16xi1>, vector<16xi32>
      %eq3A_518 = vector.broadcast %reduce_max3A_509 : f32 to vector<16xf32>
      %eq3A_519 = arith.cmpf oeq, %convert_element_type3A, %eq3A_518 : vector<16xf32>
      %jit3A_520 = arith.constant -1.000000e+00 : f32
      %broadcast_in_dim3A_521 = vector.broadcast %jit3A_520 : f32 to vector<16xf32>
      %select_n3A_522 = arith.select %eq3A_519, %broadcast_in_dim3A_521, %select_n3A_460 : vector<16xi1>, vector<16xf32>
      %eq3A_523 = vector.broadcast %reduce_max3A_509 : f32 to vector<16xf32>
      %eq3A_524 = arith.cmpf oeq, %convert_element_type3A_31, %eq3A_523 : vector<16xf32>
      %jit3A_525 = arith.constant -1.000000e+00 : f32
      %broadcast_in_dim3A_526 = vector.broadcast %jit3A_525 : f32 to vector<16xf32>
      %select_n3A_527 = arith.select %eq3A_524, %broadcast_in_dim3A_526, %select_n3A_465 : vector<16xi1>, vector<16xf32>
      %eq3A_528 = vector.broadcast %reduce_max3A_509 : f32 to vector<16xf32>
      %eq3A_529 = arith.cmpf oeq, %convert_element_type3A_38, %eq3A_528 : vector<16xf32>
      %jit3A_530 = arith.constant -1.000000e+00 : f32
      %broadcast_in_dim3A_531 = vector.broadcast %jit3A_530 : f32 to vector<16xf32>
      %select_n3A_532 = arith.select %eq3A_529, %broadcast_in_dim3A_531, %select_n3A_470 : vector<16xi1>, vector<16xf32>
      %eq3A_533 = vector.broadcast %reduce_max3A_509 : f32 to vector<16xf32>
      %eq3A_534 = arith.cmpf oeq, %convert_element_type3A_45, %eq3A_533 : vector<16xf32>
      %jit3A_535 = arith.constant -1.000000e+00 : f32
      %broadcast_in_dim3A_536 = vector.broadcast %jit3A_535 : f32 to vector<16xf32>
      %select_n3A_537 = arith.select %eq3A_534, %broadcast_in_dim3A_536, %select_n3A_475 : vector<16xi1>, vector<16xf32>
      %swap3A = arith.index_cast %scan3A_8 : i32 to index
      %swap3A_538 = arith.constant 0 : index
      %swap3A_539 = tpu.vector_load %arg5[%swap3A, %swap3A_538] {strides = array<i32>} : memref<1024x16xi32, #tpu.memory_space<vmem>>, vector<16xi32>,
      tpu.vector_store %arg5[%swap3A, %swap3A_538], %select_n3A_517 {strides = array<i32>} : memref<1024x16xi32, #tpu.memory_space<vmem>>, vector<16xi32>,
    }
    %scan3A_7 = arith.constant 1024 : i32
    "tpu.region"() ({
      %run_scoped3A = tpu.sem_alloc : memref<!tpu.dma_semaphore, #tpu.memory_space<semaphore_mem>>
      %dma_start3A = arith.constant 0 : i32
      %dma_start3A_8 = tpu.memref_slice %arg3[%mul3A_2, %dma_start3A] : memref<32768x16xi32, #tpu.memory_space<hbm>> -> memref<1024x16xi32, #tpu.memory_space<hbm>>
      %dma_start3A_9 = arith.constant 0 : i32
      %dma_start3A_10 = tpu.memref_slice %arg3[%mul3A_2, %dma_start3A_9] : memref<32768x16xi32, #tpu.memory_space<hbm>> -> memref<1024x16xi32, #tpu.memory_space<hbm>>
      tpu.enqueue_dma source(%arg5 : memref<1024x16xi32, #tpu.memory_space<vmem>>) target(%dma_start3A_10 : memref<1024x16xi32, #tpu.memory_space<hbm>>) target_semaphore(%run_scoped3A : memref<!tpu.dma_semaphore, #tpu.memory_space<semaphore_mem>>)
      %dma_wait3A = arith.constant 0 : i32
      %dma_wait3A_11 = tpu.memref_slice %arg3[%mul3A_2, %dma_wait3A] : memref<32768x16xi32, #tpu.memory_space<hbm>> -> memref<1024x16xi32, #tpu.memory_space<hbm>>
      %dma_wait3A_12 = arith.constant 0 : i32
      %dma_wait3A_13 = tpu.memref_slice %arg3[%mul3A_2, %dma_wait3A_12] : memref<32768x16xi32, #tpu.memory_space<hbm>> -> memref<1024x16xi32, #tpu.memory_space<hbm>>
      tpu.wait_dma2 semaphore(%run_scoped3A : memref<!tpu.dma_semaphore, #tpu.memory_space<semaphore_mem>>) src(%arg5 : memref<1024x16xi32, #tpu.memory_space<vmem>>) dst(%dma_wait3A_13 : memref<1024x16xi32, #tpu.memory_space<hbm>>)
      tpu.yield
    }) : () -> ()
    return
  }
}

module attributes {stable_mosaic.version = 14 : i64} {
  func.func @_probs_block(%arg0: i32, %arg1: memref<1024x4096xf32, #tpu.memory_space<vmem>>, %arg2: memref<64x4096xf32, #tpu.memory_space<vmem>>, %arg3: memref<1024x64xf32, #tpu.memory_space<vmem>>) attributes {dimension_semantics = [#tpu.dimension_semantics<arbitrary>], iteration_bounds = array<i64: 32>, scalar_prefetch = 0 : i64, scratch_operands = 0 : i64, tpu.core_type = #tpu.core_type<tc>, window_params = [{transform_indices = @transform_0, window_bounds = array<i64: 1024, 4096>}, {pipeline_mode = #tpu.pipeline_mode<synchronous>, transform_indices = @transform_1, window_bounds = array<i64: 64, 4096>}, {transform_indices = @transform_2, window_bounds = array<i64: 1024, 64>}]} {
    %get3A = arith.constant 0 : index
    %get3A_0 = arith.constant 0 : index
    %get3A_1 = vector.load %arg1[%get3A, %get3A_0] : memref<1024x4096xf32, #tpu.memory_space<vmem>>, vector<1024x4096xf32>
    %get3A_2 = arith.constant 0 : index
    %get3A_3 = arith.constant 0 : index
    %get3A_4 = vector.load %arg2[%get3A_2, %get3A_3] : memref<64x4096xf32, #tpu.memory_space<vmem>>, vector<64x4096xf32>
    %dot_general3A = arith.constant dense<0.000000e+00> : vector<1024x64xf32>
    %dot_general3A_5 = tpu.matmul %get3A_1, %get3A_4, %dot_general3A {dimension_numbers = #tpu.dot_dimension_numbers<[1], [1], [0], [0], [0, 0, 1, 0], [], []>, transpose_lhs_hint = false} : vector<1024x4096xf32>, vector<64x4096xf32>, vector<1024x64xf32> -> vector<1024x64xf32>
    %transpose3A = tpu.transpose %dot_general3A_5, [1, 0] : vector<1024x64xf32> -> vector<64x1024xf32>
    %reduce_max3A = arith.constant dense<0xFF800000> : vector<1024xf32>
    %reduce_max3A_6 = vector.multi_reduction <maximumf>, %transpose3A, %reduce_max3A [0] : vector<64x1024xf32> to vector<1024xf32>
    %broadcast_in_dim3A = vector.shape_cast %reduce_max3A_6 : vector<1024xf32> to vector<1x1024xf32>
    %sub3A = vector.broadcast %broadcast_in_dim3A : vector<1x1024xf32> to vector<64x1024xf32>
    %sub3A_7 = arith.subf %transpose3A, %sub3A : vector<64x1024xf32>
    %exp3A = math.exp %sub3A_7 : vector<64x1024xf32>
    %reduce_sum3A = arith.constant dense<0.000000e+00> : vector<1024xf32>
    %reduce_sum3A_8 = vector.multi_reduction <add>, %exp3A, %reduce_sum3A [0] : vector<64x1024xf32> to vector<1024xf32>
    %broadcast_in_dim3A_9 = vector.shape_cast %reduce_sum3A_8 : vector<1024xf32> to vector<1x1024xf32>
    %div3A = vector.broadcast %broadcast_in_dim3A_9 : vector<1x1024xf32> to vector<64x1024xf32>
    %div3A_10 = arith.divf %exp3A, %div3A : vector<64x1024xf32>
    %transpose3A_11 = tpu.transpose %div3A_10, [1, 0] : vector<64x1024xf32> -> vector<1024x64xf32>
    %swap3A = arith.constant 0 : index
    %swap3A_12 = arith.constant 0 : index
    %swap3A_13 = vector.load %arg3[%swap3A, %swap3A_12] : memref<1024x64xf32, #tpu.memory_space<vmem>>, vector<1024x64xf32>
    tpu.vector_store %arg3[%swap3A, %swap3A_12], %transpose3A_11 {strides = array<i32>} : memref<1024x64xf32, #tpu.memory_space<vmem>>, vector<1024x64xf32>,
    return
  }
  func.func @transform_0(%arg0: i32) -> (i32, i32) {
    %c0_i32 = arith.constant 0 : i32
    %c0_i32_0 = arith.constant 0 : i32
    return %arg0, %c0_i32 : i32, i32
  }
  func.func @transform_1(%arg0: i32) -> (i32, i32) {
    %c0_i32 = arith.constant 0 : i32
    %c0_i32_0 = arith.constant 0 : i32
    %c0_i32_1 = arith.constant 0 : i32
    return %c0_i32, %c0_i32_0 : i32, i32
  }
  func.func @transform_2(%arg0: i32) -> (i32, i32) {
    %c0_i32 = arith.constant 0 : i32
    %c0_i32_0 = arith.constant 0 : i32
    return %arg0, %c0_i32 : i32, i32
  }
}

</mosaic_0001>

<sc_bundles>
// kernel: kernel.4.cloned.1.call-start
scs
__scs_entry_jumppad:
0x0: {  	(pc) =	sbr.rel $0x88, $3  }
0x1: {  	(tag) =	ssettag $0x0;
	lr =	simm.s32 $0x1  }
0x2: {  	[smem:$0x3F9F] =	sst lr;
	_ =	strace $0xD0000000  }
0x3: {  	_ = 	snop  }
0x4: {  	_ = 	snop  }
0x5: {  	_ = 	snop  }
0x6: {  	_ = 	snop  }
0x7: {  	_ = 	snop  }
__scs_overlays_trampoline_lowered:
0x8: {  	[smem:$0x3FAE] =	sst s0  }
0x9: {  	[smem:$0x3FAF] =	sst s1  }
0xa: {  	[smem:$0x3FB0] =	sst s2  }
0xb: {  	[smem:$0x3FB1] =	sst s3  }
0xc: {  	[smem:$0x3FB2] =	sst s4  }
0xd: {  	[smem:$0x3FB3] =	sst s5  }
0xe: {  	[smem:$0x3FB4] =	sst s6  }
0xf: {  	[smem:$0x3FB5] =	sst s7  }
0x10: {  	[smem:$0x3FB6] =	sst s8  }
0x11: {  	[smem:$0x3FB7] =	sst s9;
	s0 =	simm.s32 @!p0 $0x0  }
0x12: {  	s1 =	sld [smem:$0x3F9D];
	s0 =	simm.s32 @p0 $0x1  }
0x13: {  	[smem:$0x3FB8] =	sst s0;
	s0 =	simm.s32 @!p1 $0x0  }
0x14: {  	s2 =	sld [smem:$0x3F9C];
	s0 =	simm.s32 @p1 $0x1  }
0x15: {  	[smem:$0x3FB9] =	sst s0;
	s0 =	simm.s32 @!p2 $0x0  }
0x16: {  	s3 =	sld [smem:$0x3FDB];
	s0 =	simm.s32 @p2 $0x1  }
0x17: {  	s4 =	simm.s32 $0x1BF5;
	[smem:$0x3FBB] =	sst s0  }
0x18: {  	s0 =	sld [smem:$0x3F9E];
	_ =	swait.ge [sflag:s4], $0x0  }
0x19: {  	s7 =	sld [smem:$0x3F9F]  }
0x1a: {  	s8 =	sadd.s32 $0xFFFFE003, lr  }
0x1b: {  	s9 =	sadd.s32 $0xFFFFFEF7, lr;
	s5 =	simm.s32 $0xFFFFFFFF;
	p2 =	slt.u32 s8, $0xFFFFF086  }
0x1c: {  	p1 =	slt.u32 s9, $0xF7A;
	s5 =	simm.s32 @!p2 $0x0  }
0x1d: {  	s5 =	simm.s32 @p1 $0x1;
	p0 =	seq.s32 s7, s2  }
0x1e: {  	s7 =	smul.u32 @!p0 $0xF7A, s2;
	p2 =	seq.s32 @!p0 s5, $0x0  }
0x1f: {  	s9 =	smul.u32 $0xF7A, s1;
	s8 =	simm.s32 @!p0 $0x1BF5;
	p2 =	por !p2, p0  }
0x20: {  	[sflag:s8] =	ssyncset.s32 @!p0 $0xFFFFF086;
	s6 =	sadd.s32 @!p0 s3, s7;
	s7 =	simm.s32 @!p0 $0x108  }
0x21: {  	s3 =	sadd.s32 s3, s9;
	s6 =	sadd.s32 @!p0 $0x88, s6;
	s7 =	simm.s32 @p2 $0x1082  }
0x22: {  	[simem:s7], [sflag:s8] =	dma.local @!p0 [hbm:s6], $0xF7A  }
0x23: {  	s9 =	sor.u32 $0xD0000000, s2;
	s6 =	simm.s32 $0x108;
	_ =	swait.ge @!p0 [sflag:s8], $0x0  }
0x24: {  	s3 =	sadd.s32 $0x88, s3;
	s6 =	simm.s32 @!p1 $0x1082;
	[sflag:s4] =	ssyncset.s32 $0xFFFFF086  }
0x25: {  	[simem:s6], [sflag:s4] =	dma.local [hbm:s3], $0xF7A  }
0x26: {  	[smem:$0x3F9F] =	sst s1;
	(tag) =	ssettag s2;
	_ =	strace s9  }
0x27: {  	s1 =	sld [smem:$0x3FAF]  }
0x28: {  	s2 =	sld [smem:$0x3FB0]  }
0x29: {  	s4 =	sld [smem:$0x3FB2]  }
0x2a: {  	p0 =	seq.s32 s5, $0x0;
	s5 =	sld [smem:$0x3FB3]  }
0x2b: {  	s6 =	sld [smem:$0x3FB4]  }
0x2c: {  	s7 =	sld [smem:$0x3FB5]  }
0x2d: {  	s3 =	simm.s32 $0x108;
	s8 =	sld [smem:$0x3FB6]  }
0x2e: {  	s3 =	simm.s32 @!p0 $0x1082;
	s9 =	sld [smem:$0x3FB7]  }
0x2f: {  	lr =	sadd.s32 s0, s3;
	s0 =	sld [smem:$0x3FAE]  }
0x30: {  	s3 =	sld [smem:$0x3FB1]  }
0x31: {  	[smem:$0x3FBA] =	sst s10  }
0x32: {  	s10 =	sld [smem:$0x3FB8];
	_ =	sdelay $0x3  }
0x33: {  	p0 =	seq.s32 s10, $0x1;
	s10 =	sld [smem:$0x3FBA];
	_ =	sdelay $0x3  }
0x34: {  	[smem:$0x3FBA] =	sst s10  }
0x35: {  	s10 =	sld [smem:$0x3FB9];
	_ =	sdelay $0x3  }
0x36: {  	p1 =	seq.s32 s10, $0x1;
	s10 =	sld [smem:$0x3FBA];
	_ =	sdelay $0x3  }
0x37: {  	[smem:$0x3FBA] =	sst s10  }
0x38: {  	s10 =	sld [smem:$0x3FBB]  }
0x39: {  	_ = 	snop;
	(pc) =	sbr.ind lr, $3  }
0x3a: {  	_ = 	snop  }
0x3b: {  	_ = 	snop  }
0x3c: {  	p2 =	seq.s32 s10, $0x1;
	s10 =	sld [smem:$0x3FBA]  }
0x3d: {  	_ =	shalt  }
0x3e: {  	_ =	shalt  }
0x3f: {  	_ =	shalt  }
0x40: {  	_ =	shalt  }
0x41: {  	_ =	shalt  }
0x42: {  	_ =	shalt  }
0x43: {  	_ =	shalt  }
0x44: {  	_ =	shalt  }
0x45: {  	_ =	shalt  }
0x46: {  	_ =	shalt  }
0x47: {  	_ =	shalt  }
0x48: {  	_ =	shalt  }
0x49: {  	_ =	shalt  }
0x4a: {  	_ =	shalt  }
0x4b: {  	_ =	shalt  }
0x4c: {  	_ =	shalt  }
0x4d: {  	_ =	shalt  }
0x4e: {  	_ =	shalt  }
0x4f: {  	_ =	shalt  }
0x50: {  	_ =	shalt  }
0x51: {  	_ =	shalt  }
0x52: {  	_ =	shalt  }
0x53: {  	_ =	shalt  }
0x54: {  	_ =	shalt  }
0x55: {  	_ =	shalt  }
0x56: {  	_ =	shalt  }
0x57: {  	_ =	shalt  }
0x58: {  	_ =	shalt  }
0x59: {  	_ =	shalt  }
0x5a: {  	_ =	shalt  }
0x5b: {  	_ =	shalt  }
0x5c: {  	_ =	shalt  }
0x5d: {  	_ =	shalt  }
0x5e: {  	_ =	shalt  }
0x5f: {  	_ =	shalt  }
0x60: {  	_ =	shalt  }
0x61: {  	_ =	shalt  }
0x62: {  	_ =	shalt  }
0x63: {  	_ =	shalt  }
0x64: {  	_ =	shalt  }
0x65: {  	_ =	shalt  }
0x66: {  	_ =	shalt  }
0x67: {  	_ =	shalt  }
0x68: {  	_ =	shalt  }
0x69: {  	_ =	shalt  }
0x6a: {  	_ =	shalt  }
0x6b: {  	_ =	shalt  }
0x6c: {  	_ =	shalt  }
0x6d: {  	_ =	shalt  }
0x6e: {  	_ =	shalt  }
0x6f: {  	_ =	shalt  }
0x70: {  	_ =	shalt  }
0x71: {  	_ =	shalt  }
0x72: {  	_ =	shalt  }
0x73: {  	_ =	shalt  }
0x74: {  	_ =	shalt  }
0x75: {  	_ =	shalt  }
0x76: {  	_ =	shalt  }
0x77: {  	_ =	shalt  }
0x78: {  	_ =	shalt  }
0x79: {  	_ =	shalt  }
0x7a: {  	_ =	shalt  }
0x7b: {  	_ =	shalt  }
0x7c: {  	_ =	shalt  }
0x7d: {  	_ =	shalt  }
0x7e: {  	_ =	shalt  }
0x7f: {  	_ =	shalt  }
0x80: {  	_ =	shalt  }
0x81: {  	_ =	shalt  }
0x82: {  	_ =	shalt  }
0x83: {  	_ =	shalt  }
0x84: {  	_ =	shalt  }
0x85: {  	_ =	shalt  }
0x86: {  	_ =	shalt  }
0x87: {  	_ =	shalt  }
.Lfunc_end0:
.L_simem_size_0:
called_computation_lowered:
.L_overlay_start_0:
0x88: {  	s2 =	sld [smem:$0x3FD9]  }
0x89: {  	s3 =	sld [smem:$0x3FFE];
	_ =	sdelay $0x1  }
0x8a: {  	s1 =	srdreg.scid  }
0x8b: {  	s0 =	sand.u32 $0x1, s1  }
0x8c: {  	s16 =	sshll.u32 s0, $0xA;
	s2 =	sadd.s32 s3, s2  }
0x8d: {  	s2 =	sadd.s32 s2, s16  }
0x8e: {  	[smem:$0x3FC6] =	sst s2  }
0x8f: {  	_ = 	snop  }
0x90: {  	(tm) =	ssettm $0x1  }
0x91: {  	s17 =	sld [smem:$0x3FFB];
	_ =	sdelay $0x3  }
0x92: {  	_ =	strace s17  }
0x93: {  	s2 =	sld [smem:$0x3FFC];
	_ =	sdelay $0x3  }
0x94: {  	_ =	strace s2  }
0x95: {  	s2 =	sld [smem:$0x3FFD];
	_ =	sdelay $0x3  }
0x96: {  	_ =	strace s2  }
0x97: {  	_ =	strace $0x8FFFFFFF  }
0x98: {  	s18 =	sld [smem:$0x3FDB];
	_ =	sdelay $0x1  }
0x99: {  	s19 =	simm.s32 $_scs_section_size  }
0x9a: {  	s4 =	simm.s32 $_size__tile_overlayer_lowered;
	s5 =	simm.s32 $_tile_overlayer_lowered  }
0x9b: {  	s22 =	simm.s32 $0x1BFF;
	s21 =	sshll.u32 s5, $0x1;
	s2 =	sadd.s32 s19, s18  }
0x9c: {  	s6 =	simm.s32 $0x0;
	s20 =	sshll.u32 s4, $0x1;
	s4 =	sadd.s32 s21, s2  }
0x9d: {  	[timem:s6], [sflag:s22] =	dma.local [hbm:s4], s20  }
0x9e: {  	_ =	swait.ge [sflag:s22], s20  }
0x9f: {  	s3 =	ssub.s32 $0x0, s20;
	[sflag:s22] =	ssyncset.done $0x0  }
0xa0: {  	[sflag:s22] =	ssyncadd.s32 s3;
	_ =	sdelay $0x1  }
0xa1: {  	s23 =	simm.s32 $0x1B8B  }
0xa2: {  	_ =	swait.ge [sflag:s23], $0x1  }
0xa3: {  	[sflag:s23] =	ssyncset.done $0x0  }
0xa4: {  	s25 =	simm.s32 $0x1B8E;
	s24 =	sld [smem:$0x3FFE];
	[sflag:s23] =	ssyncadd.s32 $0xFFFFFFFF  }
0xa5: {  	s26 =	simm.s32 $execute0_lowered;
	[smem:$0x3FD2] =	sst s25  }
0xa6: {  	s4 =	sshll.u32 s26, $0x1;
	_ =	strace $0x80000046;
	[dreg:$0x1] =	wrdreg $0xFFFFFFFF  }
0xa7: {  	s28 =	simm.s32 $_size_execute0_lowered;
	s2 =	sadd.s32 s2, s4;
	[dreg:$0x0] =	wrdreg $0x0  }
0xa8: {  	s4 =	sshll.u32 s28, $0x1;
	[dreg:$0x2] =	wrdreg s2  }
0xa9: {  	[dreg:$0x3] =	wrdreg s4  }
0xaa: {  	[dreg:$0x4] =	wrdreg $0xC0  }
0xab: {  	_ =	task [dreg:s6], $0x5FFFF  }
0xac: {  	[dreg:$0x1] =	wrdreg $0xFFFFFFFF  }
0xad: {  	[dreg:$0x0] =	wrdreg $0x60  }
0xae: {  	[dreg:$0x2] =	wrdreg s24  }
0xaf: {  	[dreg:$0x3] =	wrdreg $0x9  }
0xb0: {  	_ =	task.clear_ibuf [dreg:s6], $0x4FFFF;
	_ =	strace $0x90000046  }
0xb1: {  	s29 =	simm.s32 $0x9;
	_ =	strace $0x80000048  }
0xb2: {  	_ =	swait.ge [sflag:s29], $0x1  }
0xb3: {  	[sflag:s29] =	ssyncadd.s32 $0xFFFFFFFF  }
0xb4: {  	_ =	strace $0x90000048  }
0xb5: {  	_ =	sfence  }
0xb6: {  	s30 =	sld [smem:$0x0];
	_ =	sdelay $0x2  }
0xb7: {  	s31 =	sshll.u32 s1, $0xD;
	s1 =	sshrl.u32 s1, $0x2  }
0xb8: {  	s3 =	sand.u32 $0x4000, s31;
	s1 =	sadd.s32 s1, s30  }
0xb9: {  	s0 =	sor.u32 s3, s0;
	s1 =	sshll.u32 s1, $0x11  }
0xba: {  	s0 =	sor.u32 s1, s0  }
0xbb: {  	s0 =	sadd.s32 $0x8F2B, s0  }
0xbc: {  	[sflag:s0] =	ssyncadd.remote.s32 $0x1  }
0xbd: {  	_ =	sfence.sel $0xFFFF  }
0xbe: {  	[dreg:$0x0] =	wrdreg $0xFFFFFFFF;
	(pc) =	sbr.abs _section_cstart, $3  }
0xbf: {  	[dreg:$0x1] =	wrdreg $0xFFFFFFFF  }
0xc0: {  	_ =	task.clear_ibuf [dreg:s6], $0x2FFFF;
	_ =	strace $0x9FFFFFFF  }
0xc1: {  	(tm) =	ssettm $0x7FFFFFFF  }
tec
execute0_lowered:
.L_overlay_start_1:
0x0: {  	(tag) =	ssettag $0x1  }
0x1: {  	v0 =	vimm.f32 $4.800000000e+01  }
0x2: {  	vm0 =	vcmask $0x300;
	vm1 =	vcmask $0x704;
	vm2 =	vcmask $0xB08  }
0x3: {  	vm3 =	vcmask $0xF0C;
	vm4 =	vcmask $0x1310;
	vm5 =	vcmask $0x1714  }
0x4: {  	vm6 =	vcmask $0x1B18;
	vm7 =	vcmask $0x1F1C;
	vm14 =	vcmask $0x2320  }
0x5: {  	vm13 =	vcmask $0x2724;
	vm12 =	vcmask $0x2B28;
	vm11 =	vcmask $0x2F2C  }
0x6: {  	vm10 =	vcmask $0x3330;
	vm9 =	vcmask $0x3734;
	vm8 =	vcmask $0x3B38  }
0x7: {  	v1 =	vimm.f32 $3.200000000e+01;
	v2 =	vimm.f32 $1.600000000e+01;
	v3 =	vimm.f32 $0.0e+00  }
0x8: {  	v0 =	vsel vm0, $0x427C0000, v0;
	v1 =	vsel vm0, $0x423C0000, v1;
	v2 =	vsel vm0, $0x41F80000, v2  }
0x9: {  	v3 =	vsel vm0, $0x41700000, v3;
	v0 =	vsel vm1, $0x42780000, v0;
	v1 =	vsel vm1, $0x42380000, v1  }
0xa: {  	v2 =	vsel vm1, $0x41F00000, v2;
	v3 =	vsel vm1, $0x41600000, v3;
	v0 =	vsel vm2, $0x42740000, v0  }
0xb: {  	v1 =	vsel vm2, $0x42340000, v1;
	v2 =	vsel vm2, $0x41E80000, v2;
	v3 =	vsel vm2, $0x41500000, v3  }
0xc: {  	v0 =	vsel vm3, $0x42700000, v0;
	v1 =	vsel vm3, $0x42300000, v1;
	v2 =	vsel vm3, $0x41E00000, v2  }
0xd: {  	v3 =	vsel vm3, $0x41400000, v3;
	v0 =	vsel vm4, $0x426C0000, v0;
	v1 =	vsel vm4, $0x422C0000, v1  }
0xe: {  	v2 =	vsel vm4, $0x41D80000, v2;
	v3 =	vsel vm4, $0x41300000, v3;
	v0 =	vsel vm5, $0x42680000, v0  }
0xf: {  	v1 =	vsel vm5, $0x42280000, v1;
	v2 =	vsel vm5, $0x41D00000, v2;
	v3 =	vsel vm5, $0x41200000, v3  }
0x10: {  	v0 =	vsel vm6, $0x42640000, v0;
	v1 =	vsel vm6, $0x42240000, v1;
	v2 =	vsel vm6, $0x41C80000, v2  }
0x11: {  	v3 =	vsel vm6, $0x41100000, v3;
	v0 =	vsel vm7, $0x42600000, v0;
	v1 =	vsel vm7, $0x42200000, v1  }
0x12: {  	v2 =	vsel vm7, $0x41C00000, v2;
	v3 =	vsel vm7, $0x41000000, v3;
	v0 =	vsel vm14, $0x425C0000, v0  }
0x13: {  	s3 =	rddreg [dreg:$0x0];
	v1 =	vsel vm14, $0x421C0000, v1;
	v2 =	vsel vm14, $0x41B80000, v2;
	v3 =	vsel vm14, $0x40E00000, v3  }
0x14: {  	s0 =	rddreg [dreg:$0x1];
	s4 =	srdreg.scid;
	v0 =	vsel vm13, $0x42580000, v0;
	v1 =	vsel vm13, $0x42180000, v1;
	v2 =	vsel vm13, $0x41B00000, v2  }
0x15: {  	s2 =	simm.s32 $0x0;
	s1 =	stileid.u32;
	s4 =	sand.u32 $0x1, s4;
	v3 =	vsel vm13, $0x40C00000, v3;
	v0 =	vsel vm12, $0x42540000, v0;
	v1 =	vsel vm12, $0x42140000, v1  }
0x16: {  	[smem:$0x7FF] =	sst s2;
	s5 =	sshll.u32 s1, $0xB;
	s6 =	sshll.u32 s4, $0xA;
	v2 =	vsel vm12, $0x41A80000, v2;
	v3 =	vsel vm12, $0x40A00000, v3;
	v0 =	vsel vm11, $0x42500000, v0  }
0x17: {  	s8 =	simm.s32 $0x0;
	_ =	strace $0x80000047;
	s5 =	sor.u32 s6, s5;
	v1 =	vsel vm11, $0x42100000, v1;
	v2 =	vsel vm11, $0x41A00000, v2;
	v3 =	vsel vm11, $0x40800000, v3  }
0x18: {  	s4 =	ssub.s32 $0x2, s4;
	s6 =	sshll.u32 s5, $0x3;
	s5 =	sshll.u32 s5, $0x1;
	v0 =	vsel vm10, $0x424C0000, v0;
	v1 =	vsel vm10, $0x420C0000, v1;
	v2 =	vsel vm10, $0x41980000, v2  }
0x19: {  	s7 =	sshrl.u32 s4, $0x1;
	s6 =	sadd.s32 s6, s3;
	s5 =	sadd.s32 s5, s3;
	v3 =	vsel vm10, $0x40400000, v3;
	v0 =	vsel vm9, $0x42480000, v0;
	v1 =	vsel vm9, $0x42080000, v1  }
0x1a: {  	s7 =	ssub.s32 s4, s7;
	s3 =	sadd.s32 $0x600, s6;
	s4 =	sadd.s32 $0x40600, s5;
	v2 =	vsel vm9, $0x41900000, v2;
	v3 =	vsel vm9, $0x40000000, v3;
	v0 =	vsel vm8, $0x42440000, v0  }
0x1b: {  	s5 =	smax.u32 s7, $0x1;
	s6 =	simm.s32 $0x1;
	s7 =	simm.s32 $0x10000;
	v1 =	vsel vm8, $0x42040000, v1;
	v2 =	vsel vm8, $0x41880000, v2;
	v3 =	vsel vm8, $0x3F800000, v3  }
.LBB2_1:
0x1c: {  	[tilespmem:s2], [sflag:$0x1] =	stream.linear.gather [hbm4b:s3+s2], $0x10000, $0x38;
	[tilespmem:$0x14000] =	vst v63  }
0x1d: {  	_ =	swait.ge [sflag:s6], $0x10000  }
0x1e: {  	[sflag:s6] =	ssyncset.done $0x0  }
0x1f: {  	s9 =	simm.s32 $0x20;
	[sflag:s6] =	ssyncadd.s32 $0xFFFF0000  }
0x20: {  	v5 =	vld [tilespmem:s9+$0xFFFFFFE0]  }
0x21: {  	v6 =	vld [tilespmem:s9+$0x10]  }
0x22: {  	v7 =	vld [tilespmem:s9+$0x0]  }
0x23: {  	v8 =	vld [tilespmem:s9+$0xFFFFFFF0];
	_ =	sdelay $0x4  }
0x24: {  	v4 =	vmax.f32 v7, v6;
	v9 =	vmax.f32 v5, v8  }
0x25: {  	v4 =	vmax.f32 v9, v4  }
0x26: {  	(xrf0) =	vmax.scan.msk.f32 $0xffff, v4;
	_ =	sdelay $0x5  }
0x27: {  	v4, _, _ =	vpop (xrf0)  }
0x28: {  	v4 =	vbroadcast v4, $0xF;
	_ =	sdelay $0x1  }
0x29: {  	vm8 =	veq.f32 v5, v4;
	vm9 =	veq.f32 v8, v4  }
0x2a: {  	vm10 =	veq.f32 v7, v4;
	v19 =	vnsel vm8, $0xBF800000, v0;
	vm8 =	veq.f32 v6, v4  }
0x2b: {  	v4 =	vnsel vm9, $0xBF800000, v1;
	v10 =	vnsel vm10, $0xBF800000, v2;
	v11 =	vnsel vm8, $0xBF800000, v3  }
0x2c: {  	v4 =	vmax.f32 v19, v4;
	v20 =	vmax.f32 v10, v11  }
0x2d: {  	v4 =	vmax.f32 v4, v20  }
0x2e: {  	(xrf0) =	vmax.scan.msk.f32 $0xffff, v4;
	_ =	sdelay $0x5  }
0x2f: {  	v4, _, _ =	vpop (xrf0)  }
0x30: {  	v21 =	vbroadcast v4, $0xF;
	_ =	sdelay $0x1  }
0x31: {  	vm8 =	veq.f32 v21, v0;
	vm13 =	veq.f32 v21, v1  }
0x32: {  	vm14 =	veq.f32 v21, v2;
	v22 =	vsel vm8, $0xBF800000, v5;
	vm8 =	veq.f32 v21, v3  }
0x33: {  	v8 =	vsel vm13, $0xBF800000, v8;
	v7 =	vsel vm14, $0xBF800000, v7;
	v6 =	vsel vm8, $0xBF800000, v6  }
0x34: {  	v5 =	vmax.f32 v22, v8;
	v23 =	vmax.f32 v7, v6  }
0x35: {  	v5 =	vmax.f32 v5, v23  }
0x36: {  	(xrf0) =	vmax.scan.msk.f32 $0xffff, v5;
	_ =	sdelay $0x5  }
0x37: {  	v5, _, _ =	vpop (xrf0)  }
0x38: {  	v5 =	vbroadcast v5, $0xF;
	_ =	sdelay $0x1  }
0x39: {  	vm8 =	veq.f32 v22, v5;
	vm9 =	veq.f32 v8, v5  }
0x3a: {  	vm10 =	veq.f32 v7, v5;
	v24 =	vnsel vm8, $0xBF800000, v0;
	vm8 =	veq.f32 v6, v5  }
0x3b: {  	v5 =	vnsel vm9, $0xBF800000, v1;
	v25 =	vnsel vm10, $0xBF800000, v2;
	v12 =	vnsel vm8, $0xBF800000, v3  }
0x3c: {  	v5 =	vmax.f32 v24, v5;
	v26 =	vmax.f32 v25, v12  }
0x3d: {  	v5 =	vmax.f32 v5, v26  }
0x3e: {  	(xrf0) =	vmax.scan.msk.f32 $0xffff, v5;
	_ =	sdelay $0x5  }
0x3f: {  	v5, _, _ =	vpop (xrf0)  }
0x40: {  	v27 =	vbroadcast v5, $0xF;
	_ =	sdelay $0x1  }
0x41: {  	vm8 =	veq.f32 v27, v0;
	vm15 =	veq.f32 v27, v1  }
0x42: {  	vm12 =	veq.f32 v27, v2;
	v10 =	vsel vm8, $0xBF800000, v22;
	vm8 =	veq.f32 v27, v3  }
0x43: {  	v8 =	vsel vm15, $0xBF800000, v8;
	v7 =	vsel vm12, $0xBF800000, v7;
	v6 =	vsel vm8, $0xBF800000, v6  }
0x44: {  	v28 =	vmax.f32 v10, v8;
	v29 =	vmax.f32 v7, v6  }
0x45: {  	v9 =	vmax.f32 v28, v29  }
0x46: {  	(xrf0) =	vmax.scan.msk.f32 $0xffff, v9;
	_ =	sdelay $0x5  }
0x47: {  	v9, _, _ =	vpop (xrf0)  }
0x48: {  	v9 =	vbroadcast v9, $0xF;
	_ =	sdelay $0x1  }
0x49: {  	vm8 =	veq.f32 v10, v9;
	vm9 =	veq.f32 v8, v9  }
0x4a: {  	vm10 =	veq.f32 v7, v9;
	v30 =	vnsel vm8, $0xBF800000, v0;
	vm8 =	veq.f32 v6, v9  }
0x4b: {  	v31 =	vnsel vm9, $0xBF800000, v1;
	v32 =	vnsel vm10, $0xBF800000, v2;
	v13 =	vnsel vm8, $0xBF800000, v3  }
0x4c: {  	v9 =	vmax.f32 v30, v31;
	v33 =	vmax.f32 v32, v13  }
0x4d: {  	v9 =	vmax.f32 v9, v33  }
0x4e: {  	(xrf0) =	vmax.scan.msk.f32 $0xffff, v9;
	_ =	sdelay $0x5  }
0x4f: {  	v9, _, _ =	vpop (xrf0)  }
0x50: {  	v34 =	vbroadcast v9, $0xF;
	_ =	sdelay $0x1  }
0x51: {  	vm8 =	veq.f32 v34, v0;
	vm13 =	veq.f32 v34, v1  }
0x52: {  	vm14 =	veq.f32 v34, v2;
	v10 =	vsel vm8, $0xBF800000, v10;
	vm8 =	veq.f32 v34, v3  }
0x53: {  	v8 =	vsel vm13, $0xBF800000, v8;
	v7 =	vsel vm14, $0xBF800000, v7;
	v6 =	vsel vm8, $0xBF800000, v6  }
0x54: {  	v35 =	vmax.f32 v10, v8;
	v36 =	vmax.f32 v7, v6  }
0x55: {  	v11 =	vmax.f32 v35, v36  }
0x56: {  	(xrf0) =	vmax.scan.msk.f32 $0xffff, v11;
	_ =	sdelay $0x5  }
0x57: {  	v11, _, _ =	vpop (xrf0)  }
0x58: {  	v11 =	vbroadcast v11, $0xF;
	_ =	sdelay $0x1  }
0x59: {  	vm8 =	veq.f32 v10, v11;
	vm9 =	veq.f32 v8, v11  }
0x5a: {  	vm10 =	veq.f32 v7, v11;
	v37 =	vnsel vm8, $0xBF800000, v0;
	vm8 =	veq.f32 v6, v11  }
0x5b: {  	v38 =	vnsel vm9, $0xBF800000, v1;
	v39 =	vnsel vm10, $0xBF800000, v2;
	v14 =	vnsel vm8, $0xBF800000, v3  }
0x5c: {  	v11 =	vmax.f32 v37, v38;
	v40 =	vmax.f32 v39, v14  }
0x5d: {  	v11 =	vmax.f32 v11, v40  }
0x5e: {  	(xrf0) =	vmax.scan.msk.f32 $0xffff, v11;
	_ =	sdelay $0x5  }
0x5f: {  	v11, _, _ =	vpop (xrf0)  }
0x60: {  	v41 =	vbroadcast v11, $0xF;
	_ =	sdelay $0x1  }
0x61: {  	vm8 =	veq.f32 v41, v0;
	vm15 =	veq.f32 v41, v1  }
0x62: {  	vm12 =	veq.f32 v41, v2;
	v10 =	vsel vm8, $0xBF800000, v10;
	vm8 =	veq.f32 v41, v3  }
0x63: {  	v8 =	vsel vm15, $0xBF800000, v8;
	v7 =	vsel vm12, $0xBF800000, v7;
	v6 =	vsel vm8, $0xBF800000, v6  }
0x64: {  	v42 =	vmax.f32 v10, v8;
	v43 =	vmax.f32 v7, v6  }
0x65: {  	v12 =	vmax.f32 v42, v43  }
0x66: {  	(xrf0) =	vmax.scan.msk.f32 $0xffff, v12;
	_ =	sdelay $0x5  }
0x67: {  	v12, _, _ =	vpop (xrf0)  }
0x68: {  	v12 =	vbroadcast v12, $0xF;
	_ =	sdelay $0x1  }
0x69: {  	vm8 =	veq.f32 v10, v12;
	vm9 =	veq.f32 v8, v12  }
0x6a: {  	vm10 =	veq.f32 v7, v12;
	v44 =	vnsel vm8, $0xBF800000, v0;
	vm8 =	veq.f32 v6, v12  }
0x6b: {  	v45 =	vnsel vm9, $0xBF800000, v1;
	v46 =	vnsel vm10, $0xBF800000, v2;
	v15 =	vnsel vm8, $0xBF800000, v3  }
0x6c: {  	v12 =	vmax.f32 v44, v45;
	v47 =	vmax.f32 v46, v15  }
0x6d: {  	v12 =	vmax.f32 v12, v47  }
0x6e: {  	(xrf0) =	vmax.scan.msk.f32 $0xffff, v12;
	_ =	sdelay $0x5  }
0x6f: {  	v12, _, _ =	vpop (xrf0)  }
0x70: {  	v48 =	vbroadcast v12, $0xF;
	_ =	sdelay $0x1  }
0x71: {  	vm8 =	veq.f32 v48, v0;
	vm13 =	veq.f32 v48, v1  }
0x72: {  	vm14 =	veq.f32 v48, v2;
	v10 =	vsel vm8, $0xBF800000, v10;
	vm8 =	veq.f32 v48, v3  }
0x73: {  	v8 =	vsel vm13, $0xBF800000, v8;
	v7 =	vsel vm14, $0xBF800000, v7;
	v6 =	vsel vm8, $0xBF800000, v6  }
0x74: {  	v49 =	vmax.f32 v10, v8;
	v50 =	vmax.f32 v7, v6  }
0x75: {  	v13 =	vmax.f32 v49, v50  }
0x76: {  	(xrf0) =	vmax.scan.msk.f32 $0xffff, v13;
	_ =	sdelay $0x5  }
0x77: {  	v13, _, _ =	vpop (xrf0)  }
0x78: {  	v13 =	vbroadcast v13, $0xF;
	_ =	sdelay $0x1  }
0x79: {  	vm8 =	veq.f32 v10, v13;
	vm9 =	veq.f32 v8, v13  }
0x7a: {  	vm10 =	veq.f32 v7, v13;
	v51 =	vnsel vm8, $0xBF800000, v0;
	vm8 =	veq.f32 v6, v13  }
0x7b: {  	v52 =	vnsel vm9, $0xBF800000, v1;
	v53 =	vnsel vm10, $0xBF800000, v2;
	v16 =	vnsel vm8, $0xBF800000, v3  }
0x7c: {  	v13 =	vmax.f32 v51, v52;
	v54 =	vmax.f32 v53, v16  }
0x7d: {  	v13 =	vmax.f32 v13, v54  }
0x7e: {  	(xrf0) =	vmax.scan.msk.f32 $0xffff, v13;
	_ =	sdelay $0x5  }
0x7f: {  	v13, _, _ =	vpop (xrf0)  }
0x80: {  	v55 =	vbroadcast v13, $0xF;
	_ =	sdelay $0x1  }
0x81: {  	vm8 =	veq.f32 v55, v0;
	vm15 =	veq.f32 v55, v1  }
0x82: {  	vm12 =	veq.f32 v55, v2;
	v10 =	vsel vm8, $0xBF800000, v10;
	vm8 =	veq.f32 v55, v3  }
0x83: {  	v8 =	vsel vm15, $0xBF800000, v8;
	v7 =	vsel vm12, $0xBF800000, v7;
	v6 =	vsel vm8, $0xBF800000, v6  }
0x84: {  	v56 =	vmax.f32 v10, v8;
	v57 =	vmax.f32 v7, v6  }
0x85: {  	v14 =	vmax.f32 v56, v57  }
0x86: {  	(xrf0) =	vmax.scan.msk.f32 $0xffff, v14;
	_ =	sdelay $0x5  }
0x87: {  	v14, _, _ =	vpop (xrf0)  }
0x88: {  	v14 =	vbroadcast v14, $0xF;
	_ =	sdelay $0x1  }
0x89: {  	vm8 =	veq.f32 v10, v14;
	vm9 =	veq.f32 v8, v14  }
0x8a: {  	vm10 =	veq.f32 v7, v14;
	v58 =	vnsel vm8, $0xBF800000, v0;
	vm8 =	veq.f32 v6, v14  }
0x8b: {  	v59 =	vnsel vm9, $0xBF800000, v1;
	v60 =	vnsel vm10, $0xBF800000, v2;
	v17 =	vnsel vm8, $0xBF800000, v3  }
0x8c: {  	v14 =	vmax.f32 v58, v59;
	v61 =	vmax.f32 v60, v17  }
0x8d: {  	v14 =	vmax.f32 v14, v61  }
0x8e: {  	(xrf0) =	vmax.scan.msk.f32 $0xffff, v14;
	_ =	sdelay $0x5  }
0x8f: {  	v14, _, _ =	vpop (xrf0)  }
0x90: {  	v62 =	vbroadcast v14, $0xF  }
0x91: {  	(v2sf) =	vpush v4, $0xF  }
0x92: {  	(v2sf) =	vpush v5, $0xF;
	vm8 =	veq.f32 v62, v0;
	vm13 =	veq.f32 v62, v1  }
0x93: {  	vm14 =	veq.f32 v62, v3;
	v4 =	vsel vm8, $0xBF800000, v10;
	vm8 =	veq.f32 v62, v2  }
0x94: {  	v5 =	vsel vm13, $0xBF800000, v8;
	v6 =	vsel vm14, $0xBF800000, v6;
	v7 =	vsel vm8, $0xBF800000, v7  }
0x95: {  	v8 =	vmax.f32 v4, v5;
	v63 =	vmax.f32 v7, v6  }
0x96: {  	v8 =	vmax.f32 v8, v63  }
0x97: {  	(xrf0) =	vmax.scan.msk.f32 $0xffff, v8  }
0x98: {  	(v2sf) =	vpush v9, $0xF  }
0x99: {  	(v2sf) =	vpush v11, $0xF  }
0x9a: {  	(v2sf) =	vpush v12, $0xF  }
0x9b: {  	(v2sf) =	vpush v13, $0xF  }
0x9c: {  	(v2sf) =	vpush v14, $0xF  }
0x9d: {  	v8, _, _ =	vpop (xrf0)  }
0x9e: {  	v8 =	vbroadcast v8, $0xF;
	_ =	sdelay $0x1  }
0x9f: {  	vm8 =	veq.f32 v4, v8;
	vm9 =	veq.f32 v5, v8  }
0xa0: {  	vm15 =	veq.f32 v7, v8;
	v4 =	vnsel vm8, $0xBF800000, v0;
	vm8 =	veq.f32 v6, v8  }
0xa1: {  	v5 =	vnsel vm9, $0xBF800000, v1;
	v6 =	vnsel vm15, $0xBF800000, v2;
	v7 =	vnsel vm8, $0xBF800000, v3  }
0xa2: {  	v4 =	vmax.f32 v4, v5;
	v5 =	vmax.f32 v6, v7  }
0xa3: {  	s10 =	spop (v2sf);
	v4 =	vmax.f32 v4, v5  }
0xa4: {  	s10 =	scvt.f32.s32 s10;
	(xrf0) =	vmax.scan.msk.f32 $0xffff, v4  }
0xa5: {  	s11 =	spop (v2sf)  }
0xa6: {  	s10 =	ssub.s32 $0x3F, s10;
	s11 =	scvt.f32.s32 s11;
	s12 =	spop (v2sf)  }
0xa7: {  	s23 =	scvt.f32.s32 s12;
	s13 =	spop (v2sf);
	v5 =	vmov s10  }
0xa8: {  	s11 =	ssub.s32 $0x3F, s11;
	s13 =	scvt.f32.s32 s13;
	s24 =	spop (v2sf);
	v4 =	vnsel vm0, $0x0, v5  }
0xa9: {  	s12 =	scvt.f32.s32 s24;
	s14 =	spop (v2sf);
	s10 =	ssub.s32 $0x3F, s23;
	v4 =	vsel vm1, s11, v4  }
0xaa: {  	s25 =	ssub.s32 $0x3F, s13;
	s26 =	scvt.f32.s32 s14;
	s28 =	spop (v2sf);
	v4 =	vsel vm2, s10, v4;
	v5, _, _ =	vpop (xrf0)  }
0xab: {  	s29 =	ssub.s32 $0x3F, s12;
	s30 =	scvt.f32.s32 s28;
	v4 =	vsel vm3, s25, v4;
	(v2sf) =	vpush v5, $0xF  }
0xac: {  	s31 =	ssub.s32 $0x3F, s26;
	v4 =	vsel vm4, s29, v4  }
0xad: {  	s12 =	ssub.s32 $0x3F, s30;
	v4 =	vsel vm5, s31, v4  }
0xae: {  	s10 =	simm.s32 $0x40;
	v4 =	vsel vm6, s12, v4;
	s12 =	simm.s32 $0x0  }
.LBB2_2:
0xaf: {  	p0 =	sne.s32 s10, $0xFFC0  }
0xb0: {  	s9 =	sadd.s32 $0x40, s9;
	s11 =	smov.u32 s10;
	s10 =	sadd.s32 $0x40, s10  }
0xb1: {  	_ =	sdelay $0x8  }
0xb2: {  	s13 =	spop (v2sf)  }
0xb3: {  	s13 =	scvt.f32.s32 s13;
	_ =	sdelay $0x1  }
0xb4: {  	s13 =	ssub.s32 $0x3F, s13  }
0xb5: {  	v4 =	vsel vm7, s13, v4  }
0xb6: {  	[tilespmem:s12+$0x10000] =	vst v4  }
0xb7: {  	v4 =	vld [tilespmem:s9+$0xFFFFFFE0]  }
0xb8: {  	v5 =	vld [tilespmem:s9+$0x10]  }
0xb9: {  	v6 =	vld [tilespmem:s9+$0x0]  }
0xba: {  	v7 =	vld [tilespmem:s9+$0xFFFFFFF0];
	_ =	sdelay $0x3  }
0xbb: {  	v8 =	vmax.f32 v6, v5  }
0xbc: {  	v9 =	vmax.f32 v4, v7  }
0xbd: {  	v8 =	vmax.f32 v9, v8  }
0xbe: {  	(xrf0) =	vmax.scan.msk.f32 $0xffff, v8;
	_ =	sdelay $0x5  }
0xbf: {  	v8, _, _ =	vpop (xrf0)  }
0xc0: {  	v8 =	vbroadcast v8, $0xF;
	_ =	sdelay $0x1  }
0xc1: {  	vm8 =	veq.f32 v4, v8;
	vm9 =	veq.f32 v7, v8;
	vm10 =	veq.f32 v6, v8  }
0xc2: {  	v9 =	vnsel vm8, $0xBF800000, v0;
	v10 =	vnsel vm9, $0xBF800000, v1;
	vm8 =	veq.f32 v5, v8  }
0xc3: {  	v8 =	vmax.f32 v9, v10;
	v9 =	vnsel vm10, $0xBF800000, v2;
	v10 =	vnsel vm8, $0xBF800000, v3  }
0xc4: {  	v9 =	vmax.f32 v9, v10  }
0xc5: {  	v8 =	vmax.f32 v8, v9  }
0xc6: {  	(xrf0) =	vmax.scan.msk.f32 $0xffff, v8;
	_ =	sdelay $0x5  }
0xc7: {  	v8, _, _ =	vpop (xrf0)  }
0xc8: {  	v9 =	vbroadcast v8, $0xF;
	(v2sf) =	vpush v8, $0xF;
	_ =	sdelay $0x1  }
0xc9: {  	vm8 =	veq.f32 v9, v0;
	vm9 =	veq.f32 v9, v1;
	vm10 =	veq.f32 v9, v2  }
0xca: {  	v8 =	vsel vm8, $0xBF800000, v4;
	v7 =	vsel vm9, $0xBF800000, v7;
	vm8 =	veq.f32 v9, v3  }
0xcb: {  	v6 =	vsel vm10, $0xBF800000, v6;
	v5 =	vsel vm8, $0xBF800000, v5;
	v4 =	vmax.f32 v8, v7  }
0xcc: {  	v9 =	vmax.f32 v6, v5  }
0xcd: {  	v4 =	vmax.f32 v4, v9  }
0xce: {  	(xrf0) =	vmax.scan.msk.f32 $0xffff, v4;
	_ =	sdelay $0x5  }
0xcf: {  	v4, _, _ =	vpop (xrf0)  }
0xd0: {  	v4 =	vbroadcast v4, $0xF  }
0xd1: {  	s12 =	spop (v2sf)  }
0xd2: {  	s12 =	scvt.f32.s32 s12;
	vm8 =	veq.f32 v8, v4;
	vm9 =	veq.f32 v7, v4;
	vm10 =	veq.f32 v6, v4  }
0xd3: {  	v9 =	vnsel vm8, $0xBF800000, v0;
	v10 =	vnsel vm9, $0xBF800000, v1;
	vm8 =	veq.f32 v5, v4  }
0xd4: {  	v4 =	vnsel vm10, $0xBF800000, v2;
	s12 =	ssub.s32 $0x3F, s12;
	v9 =	vmax.f32 v9, v10;
	v10 =	vnsel vm8, $0xBF800000, v3  }
0xd5: {  	v10 =	vmax.f32 v4, v10;
	v4 =	vmov s12  }
0xd6: {  	v9 =	vmax.f32 v9, v10  }
0xd7: {  	(xrf0) =	vmax.scan.msk.f32 $0xffff, v9;
	_ =	sdelay $0x5  }
0xd8: {  	v9, _, _ =	vpop (xrf0)  }
0xd9: {  	v10 =	vbroadcast v9, $0xF;
	(v2sf) =	vpush v9, $0xF;
	_ =	sdelay $0x1  }
0xda: {  	vm8 =	veq.f32 v10, v0;
	vm9 =	veq.f32 v10, v1;
	vm10 =	veq.f32 v10, v2  }
0xdb: {  	v8 =	vsel vm8, $0xBF800000, v8;
	v7 =	vsel vm9, $0xBF800000, v7;
	vm8 =	veq.f32 v10, v3  }
0xdc: {  	v6 =	vsel vm10, $0xBF800000, v6;
	v5 =	vsel vm8, $0xBF800000, v5;
	v9 =	vmax.f32 v8, v7  }
0xdd: {  	v10 =	vmax.f32 v6, v5  }
0xde: {  	v9 =	vmax.f32 v9, v10  }
0xdf: {  	(xrf0) =	vmax.scan.msk.f32 $0xffff, v9;
	_ =	sdelay $0x5  }
0xe0: {  	v9, _, _ =	vpop (xrf0)  }
0xe1: {  	v9 =	vbroadcast v9, $0xF  }
0xe2: {  	s12 =	spop (v2sf)  }
0xe3: {  	s12 =	scvt.f32.s32 s12;
	vm8 =	veq.f32 v8, v9;
	vm9 =	veq.f32 v7, v9;
	vm10 =	veq.f32 v6, v9  }
0xe4: {  	v10 =	vnsel vm8, $0xBF800000, v0;
	v11 =	vnsel vm9, $0xBF800000, v1;
	vm8 =	veq.f32 v5, v9  }
0xe5: {  	s12 =	ssub.s32 $0x3F, s12;
	v9 =	vmax.f32 v10, v11;
	v10 =	vnsel vm10, $0xBF800000, v2;
	v11 =	vnsel vm8, $0xBF800000, v3  }
0xe6: {  	v10 =	vmax.f32 v10, v11  }
0xe7: {  	v9 =	vmax.f32 v9, v10  }
0xe8: {  	(xrf0) =	vmax.scan.msk.f32 $0xffff, v9;
	_ =	sdelay $0x5  }
0xe9: {  	v9, _, _ =	vpop (xrf0)  }
0xea: {  	v10 =	vbroadcast v9, $0xF;
	(v2sf) =	vpush v9, $0xF;
	_ =	sdelay $0x1  }
0xeb: {  	vm8 =	veq.f32 v10, v0;
	vm9 =	veq.f32 v10, v1;
	vm10 =	veq.f32 v10, v2  }
0xec: {  	v8 =	vsel vm8, $0xBF800000, v8;
	v7 =	vsel vm9, $0xBF800000, v7;
	vm8 =	veq.f32 v10, v3  }
0xed: {  	v6 =	vsel vm10, $0xBF800000, v6;
	v5 =	vsel vm8, $0xBF800000, v5;
	v9 =	vmax.f32 v8, v7  }
0xee: {  	v10 =	vmax.f32 v6, v5  }
0xef: {  	v9 =	vmax.f32 v9, v10  }
0xf0: {  	(xrf0) =	vmax.scan.msk.f32 $0xffff, v9;
	_ =	sdelay $0x5  }
0xf1: {  	v9, _, _ =	vpop (xrf0)  }
0xf2: {  	v9 =	vbroadcast v9, $0xF  }
0xf3: {  	s13 =	spop (v2sf)  }
0xf4: {  	s13 =	scvt.f32.s32 s13;
	vm8 =	veq.f32 v8, v9;
	vm9 =	veq.f32 v7, v9;
	vm10 =	veq.f32 v6, v9  }
0xf5: {  	v10 =	vnsel vm8, $0xBF800000, v0;
	v11 =	vnsel vm9, $0xBF800000, v1;
	vm8 =	veq.f32 v5, v9  }
0xf6: {  	s13 =	ssub.s32 $0x3F, s13;
	v9 =	vmax.f32 v10, v11;
	v10 =	vnsel vm10, $0xBF800000, v2;
	v11 =	vnsel vm8, $0xBF800000, v3  }
0xf7: {  	v10 =	vmax.f32 v10, v11  }
0xf8: {  	v9 =	vmax.f32 v9, v10  }
0xf9: {  	(xrf0) =	vmax.scan.msk.f32 $0xffff, v9;
	_ =	sdelay $0x5  }
0xfa: {  	v9, _, _ =	vpop (xrf0)  }
0xfb: {  	v10 =	vbroadcast v9, $0xF;
	(v2sf) =	vpush v9, $0xF;
	_ =	sdelay $0x1  }
0xfc: {  	vm8 =	veq.f32 v10, v0;
	vm9 =	veq.f32 v10, v1;
	vm10 =	veq.f32 v10, v2  }
0xfd: {  	v8 =	vsel vm8, $0xBF800000, v8;
	v7 =	vsel vm9, $0xBF800000, v7;
	vm8 =	veq.f32 v10, v3  }
0xfe: {  	v6 =	vsel vm10, $0xBF800000, v6;
	v5 =	vsel vm8, $0xBF800000, v5;
	v9 =	vmax.f32 v8, v7  }
0xff: {  	v10 =	vmax.f32 v6, v5  }
0x100: {  	v9 =	vmax.f32 v9, v10  }
0x101: {  	(xrf0) =	vmax.scan.msk.f32 $0xffff, v9;
	_ =	sdelay $0x5  }
0x102: {  	v9, _, _ =	vpop (xrf0)  }
0x103: {  	v9 =	vbroadcast v9, $0xF  }
0x104: {  	s14 =	spop (v2sf)  }
0x105: {  	s14 =	scvt.f32.s32 s14;
	vm8 =	veq.f32 v8, v9;
	vm9 =	veq.f32 v7, v9;
	vm10 =	veq.f32 v6, v9  }
0x106: {  	v10 =	vnsel vm8, $0xBF800000, v0;
	v11 =	vnsel vm9, $0xBF800000, v1;
	vm8 =	veq.f32 v5, v9  }
0x107: {  	s14 =	ssub.s32 $0x3F, s14;
	v9 =	vmax.f32 v10, v11;
	v10 =	vnsel vm10, $0xBF800000, v2;
	v11 =	vnsel vm8, $0xBF800000, v3  }
0x108: {  	v10 =	vmax.f32 v10, v11  }
0x109: {  	v9 =	vmax.f32 v9, v10  }
0x10a: {  	(xrf0) =	vmax.scan.msk.f32 $0xffff, v9;
	_ =	sdelay $0x5  }
0x10b: {  	v9, _, _ =	vpop (xrf0)  }
0x10c: {  	v10 =	vbroadcast v9, $0xF;
	(v2sf) =	vpush v9, $0xF;
	_ =	sdelay $0x1  }
0x10d: {  	vm8 =	veq.f32 v10, v0;
	vm9 =	veq.f32 v10, v1;
	vm10 =	veq.f32 v10, v2  }
0x10e: {  	v8 =	vsel vm8, $0xBF800000, v8;
	v7 =	vsel vm9, $0xBF800000, v7;
	vm8 =	veq.f32 v10, v3  }
0x10f: {  	v6 =	vsel vm10, $0xBF800000, v6;
	v5 =	vsel vm8, $0xBF800000, v5;
	v9 =	vmax.f32 v8, v7  }
0x110: {  	v10 =	vmax.f32 v6, v5  }
0x111: {  	v9 =	vmax.f32 v9, v10  }
0x112: {  	(xrf0) =	vmax.scan.msk.f32 $0xffff, v9;
	_ =	sdelay $0x5  }
0x113: {  	v9, _, _ =	vpop (xrf0)  }
0x114: {  	v9 =	vbroadcast v9, $0xF  }
0x115: {  	s15 =	spop (v2sf)  }
0x116: {  	s15 =	scvt.f32.s32 s15;
	vm8 =	veq.f32 v8, v9;
	vm9 =	veq.f32 v7, v9;
	vm10 =	veq.f32 v6, v9  }
0x117: {  	v10 =	vnsel vm8, $0xBF800000, v0;
	v11 =	vnsel vm9, $0xBF800000, v1;
	vm8 =	veq.f32 v5, v9  }
0x118: {  	s15 =	ssub.s32 $0x3F, s15;
	v9 =	vmax.f32 v10, v11;
	v10 =	vnsel vm10, $0xBF800000, v2;
	v11 =	vnsel vm8, $0xBF800000, v3  }
0x119: {  	v10 =	vmax.f32 v10, v11  }
0x11a: {  	v9 =	vmax.f32 v9, v10  }
0x11b: {  	(xrf0) =	vmax.scan.msk.f32 $0xffff, v9;
	_ =	sdelay $0x5  }
0x11c: {  	v9, _, _ =	vpop (xrf0)  }
0x11d: {  	v10 =	vbroadcast v9, $0xF;
	(v2sf) =	vpush v9, $0xF;
	_ =	sdelay $0x1  }
0x11e: {  	vm8 =	veq.f32 v10, v0;
	vm9 =	veq.f32 v10, v1;
	vm10 =	veq.f32 v10, v2  }
0x11f: {  	v8 =	vsel vm8, $0xBF800000, v8;
	v7 =	vsel vm9, $0xBF800000, v7;
	vm8 =	veq.f32 v10, v3  }
0x120: {  	v6 =	vsel vm10, $0xBF800000, v6;
	v5 =	vsel vm8, $0xBF800000, v5;
	v9 =	vmax.f32 v8, v7  }
0x121: {  	v10 =	vmax.f32 v6, v5  }
0x122: {  	v9 =	vmax.f32 v9, v10  }
0x123: {  	(xrf0) =	vmax.scan.msk.f32 $0xffff, v9;
	_ =	sdelay $0x5  }
0x124: {  	v9, _, _ =	vpop (xrf0)  }
0x125: {  	v9 =	vbroadcast v9, $0xF  }
0x126: {  	s16 =	spop (v2sf)  }
0x127: {  	s16 =	scvt.f32.s32 s16;
	vm8 =	veq.f32 v8, v9;
	vm9 =	veq.f32 v7, v9;
	vm10 =	veq.f32 v6, v9  }
0x128: {  	v10 =	vnsel vm8, $0xBF800000, v0;
	v11 =	vnsel vm9, $0xBF800000, v1;
	vm8 =	veq.f32 v5, v9  }
0x129: {  	s16 =	ssub.s32 $0x3F, s16;
	v9 =	vmax.f32 v10, v11;
	v10 =	vnsel vm10, $0xBF800000, v2;
	v11 =	vnsel vm8, $0xBF800000, v3  }
0x12a: {  	v10 =	vmax.f32 v10, v11  }
0x12b: {  	v9 =	vmax.f32 v9, v10  }
0x12c: {  	(xrf0) =	vmax.scan.msk.f32 $0xffff, v9;
	_ =	sdelay $0x5  }
0x12d: {  	v9, _, _ =	vpop (xrf0)  }
0x12e: {  	v10 =	vbroadcast v9, $0xF;
	(v2sf) =	vpush v9, $0xF;
	_ =	sdelay $0x1  }
0x12f: {  	vm8 =	veq.f32 v10, v0;
	vm9 =	veq.f32 v10, v1;
	vm10 =	veq.f32 v10, v2  }
0x130: {  	v8 =	vsel vm8, $0xBF800000, v8;
	v7 =	vsel vm9, $0xBF800000, v7;
	vm8 =	veq.f32 v10, v3  }
0x131: {  	v6 =	vsel vm10, $0xBF800000, v6;
	v5 =	vsel vm8, $0xBF800000, v5;
	v9 =	vmax.f32 v8, v7  }
0x132: {  	v10 =	vmax.f32 v6, v5  }
0x133: {  	v9 =	vmax.f32 v9, v10  }
0x134: {  	(xrf0) =	vmax.scan.msk.f32 $0xffff, v9;
	_ =	sdelay $0x5  }
0x135: {  	v9, _, _ =	vpop (xrf0)  }
0x136: {  	v9 =	vbroadcast v9, $0xF  }
0x137: {  	s17 =	spop (v2sf)  }
0x138: {  	s17 =	scvt.f32.s32 s17;
	vm8 =	veq.f32 v8, v9;
	vm9 =	veq.f32 v7, v9;
	vm10 =	veq.f32 v6, v9  }
0x139: {  	v6 =	vnsel vm8, $0xBF800000, v0;
	v7 =	vnsel vm9, $0xBF800000, v1;
	vm8 =	veq.f32 v5, v9  }
0x13a: {  	s17 =	ssub.s32 $0x3F, s17;
	v5 =	vmax.f32 v6, v7;
	v6 =	vnsel vm10, $0xBF800000, v2;
	v7 =	vnsel vm8, $0xBF800000, v3  }
0x13b: {  	v6 =	vmax.f32 v6, v7  }
0x13c: {  	v5 =	vmax.f32 v5, v6  }
0x13d: {  	(xrf0) =	vmax.scan.msk.f32 $0xffff, v5;
	_ =	sdelay $0x3  }
0x13e: {  	v4 =	vnsel vm0, $0x0, v4  }
0x13f: {  	v4 =	vsel vm1, s12, v4  }
0x140: {  	v4 =	vsel vm2, s13, v4;
	v5, _, _ =	vpop (xrf0)  }
.Ltmp0:
0x141: {  	v4 =	vsel vm3, s14, v4;
	(v2sf) =	vpush v5, $0xF;
	(pc) =	sbr.rel @p0 .LBB2_2-.Ltmp0, $4  }
0x142: {  	v4 =	vsel vm4, s15, v4  }
0x143: {  	v4 =	vsel vm5, s16, v4  }
0x144: {  	v4 =	vsel vm6, s17, v4  }
0x145: {  	s12 =	sshra.s32 s11, $0x2  }
0x146: {  	_ =	sdelay $0x9  }
0x147: {  	s9 =	spop (v2sf)  }
0x148: {  	s9 =	scvt.f32.s32 s9;
	_ =	sdelay $0x1  }
0x149: {  	s8 =	sadd.s32 $0x1, s8;
	s9 =	ssub.s32 $0x3F, s9  }
0x14a: {  	p0 =	sne.s32 s8, s5;
	v4 =	vsel vm7, s9, v4  }
.Ltmp1:
0x14b: {  	[tilespmem:s12+$0x10000] =	vst v4;
	(pc) =	sbr.rel @p0 .LBB2_1-.Ltmp1, $4  }
0x14c: {  	[hbm4b:s4+s2] =	stream.linear.scatter [tilespmem:s7], [sflag:$0x1], $0x4000, $0x38;
	[tilespmem:$0x14000] =	vst v63  }
0x14d: {  	_ =	swait.ge [sflag:s6], $0x4000  }
0x14e: {  	[sflag:s6] =	ssyncset.done $0x0  }
0x14f: {  	[sflag:s6] =	ssyncadd.s32 $0xFFFFC000  }
0x150: {  	_ =	sfence.sel $0x180000  }
0x151: {  	[bflag:$0x0] =	sbarrier.arrive $0xFFFF  }
0x152: {  	p0 =	sne.s32 s1, $0x0;
	_ =	strace $0x90000047  }
0x153: {  	s0 =	sadd.s32 @!p0 $0x100000, s0;
	[bflag:$0x2] =	sbarrier.arrive $0xFFFF  }
0x154: {  	[sflag:s0] =	ssyncadd.tile.s32 @!p0 $0x1;
	_ =	shalt  }
.Lfunc_end2:
_tile_overlayer_lowered:
.L_overlay_start_2:
0x155: {  	(tag) =	ssettag $0x2  }
0x156: {  	s0 =	rddreg [dreg:$0x0];
	s2 =	stileid.u32  }
0x157: {  	s1 =	rddreg [dreg:$0x1];
	p0 =	sne.s32 s2, $0x0  }
0x158: {  	s3 =	rddreg [dreg:$0x2];
	[bflag:$0x3] =	sbarrier.arrive $0xFFFF;
	s2 =	simm.s32 @!p0 $0x1C01  }
0x159: {  	[timem:s3], [sflag:s2] =	dma.local @!p0 [hbm:s0], s1  }
0x15a: {  	s0 =	simm.s32 @!p0 $0x1  }
0x15b: {  	_ =	swait.ge @!p0 [sflag:s0], s1  }
0x15c: {  	s1 =	ssub.s32 @!p0 $0x0, s1;
	[sflag:s0] =	ssyncset.done @!p0 $0x0  }
0x15d: {  	[sflag:s0] =	ssyncadd.s32 @!p0 s1  }
0x15e: {  	[bflag:$0x3] =	sbarrier.arrive $0xFFFF  }
0x15f: {  	_ =	shalt  }

</sc_bundles>
